<compile_context>
chip_gen: v7x
topology: tpu7x:2x2x1
jax: 0.10.2.dev20260603
libtpu: 0.0.44.dev20260713+nightly
codegen_flags: <defaults>
</compile_context>

<pallas_src>
import functools

import jax
import jax.numpy as jnp
from jax import lax
from jax.experimental import pallas as pl
from jax.experimental.pallas import tpu as pltpu
from jax.experimental.pallas import tpu_sc as plsc

N = 10000
E = 320000
C = 128
NC = 2
NS = 16
NW = NC * NS
B = 128
EPT = E // NW
NPAD = 10240
RPT = NPAD // NS

S0_BIG, S0_SMALL, S0_NBIG = 121, 119, 10
S1_BIG, S1_SMALL, S1_NBIG = 37, 35, 8
S0_TOT = S0_NBIG * S0_BIG + (NS - S0_NBIG) * S0_SMALL

_mesh = plsc.VectorSubcoreMesh(
    core_axis_name="c", subcore_axis_name="s", num_cores=NC, num_subcores=NS)


@functools.partial(
    pl.kernel,
    out_type=jax.ShapeDtypeStruct((NC, NPAD), jnp.float32),
    mesh=_mesh,
    scratch_types=[
        pltpu.VMEM((EPT,), jnp.int32),
        pltpu.VMEM((B,), jnp.int32),
        pltpu.VMEM((B,), jnp.float32),
        pltpu.VMEM((RPT,), jnp.float32),
        pltpu.VMEM_SHARED((NPAD,), jnp.float32),
    ],
)
def _deg_kernel(dst_hbm, out_hbm, dstv, idxb, onesb, zb, degf):
    c = lax.axis_index("c")
    s = lax.axis_index("s")
    w = c * NS + s
    pltpu.sync_copy(dst_hbm.at[pl.ds(pl.multiple_of(w * EPT, 8), EPT)], dstv)
    for k in range(B // 16):
        onesb[pl.ds(k * 16, 16)] = jnp.ones((16,), jnp.float32)
    for k in range(RPT // 16):
        zb[pl.ds(k * 16, 16)] = jnp.zeros((16,), jnp.float32)
    pltpu.sync_copy(zb, degf.at[pl.ds(s * RPT, RPT)])
    plsc.subcore_barrier()

    def chunk(j, carry):
        base = j * B
        for k in range(B // 16):
            idxb[pl.ds(k * 16, 16)] = dstv[pl.ds(base + k * 16, 16)]
        pltpu.sync_copy(onesb, degf.at[idxb], add=True)
        return carry

    lax.fori_loop(0, EPT // B, chunk, 0)
    for k in range(B // 16):
        idxb[pl.ds(k * 16, 16)] = jnp.full((16,), N + 64, jnp.int32)
    for k in range((EPT % B) // 16):
        idxb[pl.ds(k * 16, 16)] = dstv[pl.ds((EPT // B) * B + k * 16, 16)]
    pltpu.sync_copy(onesb, degf.at[idxb], add=True)
    plsc.subcore_barrier()
    pltpu.sync_copy(degf.at[pl.ds(s * RPT, RPT)], out_hbm.at[c, pl.ds(s * RPT, RPT)])


@functools.partial(
    pl.kernel,
    out_type=jax.ShapeDtypeStruct((NC, NPAD, C), jnp.float32),
    mesh=_mesh,
    scratch_types=[
        pltpu.VMEM((B,), jnp.int32),
        pltpu.VMEM((B,), jnp.int32),
        pltpu.VMEM((B,), jnp.int32),
        pltpu.VMEM((B,), jnp.int32),
        pltpu.VMEM((B,), jnp.int32),
        pltpu.VMEM((B,), jnp.int32),
        pltpu.VMEM((B, C), jnp.float32),
        pltpu.VMEM((B, C), jnp.float32),
        pltpu.VMEM_SHARED((NPAD, C), jnp.float32),
        pltpu.SemaphoreType.DMA,
        pltpu.SemaphoreType.DMA,
        pltpu.SemaphoreType.DMA,
        pltpu.SemaphoreType.DMA,
        pltpu.SemaphoreType.DMA,
        pltpu.SemaphoreType.DMA,
    ],
)
def _agg_kernel(g_hbm, src_hbm, dst_hbm, zrows_hbm, out_hbm,
                sidx0, sidx1, didx0, didx1, dscat0, dscat1, buf0, buf1, acc,
                gsem0, gsem1, isem0, isem1, ssem0, ssem1):
    c = lax.axis_index("c")
    s = lax.axis_index("s")
    nch0 = jnp.where(s < S0_NBIG, S0_BIG, S0_SMALL)
    st0 = (S0_BIG * jnp.minimum(s, S0_NBIG)
           + S0_SMALL * jnp.maximum(s - S0_NBIG, 0))
    nch1 = jnp.where(s < S1_NBIG, S1_BIG, S1_SMALL)
    st1 = (S0_TOT + S1_BIG * jnp.minimum(s, S1_NBIG)
           + S1_SMALL * jnp.maximum(s - S1_NBIG, 0))
    nch = jnp.where(c == 0, nch0, nch1)
    cstart = jnp.where(c == 0, st0, st1)
    ebase = cstart * B

    def ids_at(j):
        off = pl.multiple_of(ebase + j * B, B)
        return src_hbm.at[pl.ds(off, B)], dst_hbm.at[pl.ds(off, B)]

    def fetch_ids(j, sidx, didx, isem):
        sh, dh = ids_at(j)
        pltpu.async_copy(sh, sidx, isem)
        pltpu.async_copy(dh, didx, isem)

    def wait_ids(j, sidx, didx, isem):
        sh, dh = ids_at(j)
        pltpu.make_async_copy(sh, sidx, isem).wait()
        pltpu.make_async_copy(dh, didx, isem).wait()

    def vcopy(src_ref, dst_ref):
        for k in range(B // 16):
            dst_ref[pl.ds(k * 16, 16)] = src_ref[pl.ds(k * 16, 16)]

    base = s * RPT
    for k in range(RPT // B):
        pltpu.async_copy(zrows_hbm.at[pl.ds(0, B)],
                        acc.at[pl.ds(base + k * B, B)], gsem0)
    for k in range(RPT // B):
        pltpu.make_async_copy(zrows_hbm.at[pl.ds(0, B)],
                              acc.at[pl.ds(base + k * B, B)], gsem0).wait()
    plsc.subcore_barrier()

    fetch_ids(0, sidx0, didx0, isem0)
    wait_ids(0, sidx0, didx0, isem0)
    fetch_ids(jnp.minimum(1, nch - 1), sidx1, didx1, isem1)
    pltpu.async_copy(g_hbm.at[sidx0], buf0, gsem0)

    def sub(j, sa, sb, da, db, dsa, ba, bb, ga, gb, ia, ib, sca, scb, first):
        wait_ids(jnp.minimum(j + 1, nch - 1), sb, db, ib)
        pltpu.make_async_copy(g_hbm.at[sa], ba, ga).wait()
        pltpu.async_copy(g_hbm.at[sb], bb, gb)
        pltpu.sync_copy(ba, acc.at[da], add=True)
        fetch_ids(jnp.minimum(j + 2, nch - 1), sa, da, ia)

    sub(0, sidx0, sidx1, didx0, didx1, dscat0, buf0, buf1,
        gsem0, gsem1, isem0, isem1, ssem0, ssem1, True)

    def body2(i, carry):
        j = 2 * i + 1
        sub(j, sidx1, sidx0, didx1, didx0, dscat1, buf1, buf0,
            gsem1, gsem0, isem1, isem0, ssem1, ssem0, False)
        sub(j + 1, sidx0, sidx1, didx0, didx1, dscat0, buf0, buf1,
            gsem0, gsem1, isem0, isem1, ssem0, ssem1, False)
        return carry

    lax.fori_loop(0, (nch - 1) // 2, body2, 0)
    pltpu.make_async_copy(g_hbm.at[sidx1], buf1, gsem1).wait()
    wait_ids(nch - 1, sidx0, didx0, isem0)
    plsc.subcore_barrier()
    pltpu.sync_copy(acc.at[pl.ds(base, RPT)], out_hbm.at[c, pl.ds(base, RPT)])


def _mm_body(x_ref, w_ref, h_ref):
    h_ref[...] = jnp.dot(x_ref[...], w_ref[...],
                         precision=lax.Precision.HIGHEST,
                         preferred_element_type=jnp.float32)


def _scale_body(h_ref, degT_ref, g_ref):
    deg = degT_ref[:, 0:1] + degT_ref[:, 1:2] + 1.0
    g_ref[...] = h_ref[...] * lax.rsqrt(deg)


def _fin_body(p0_ref, p1_ref, g_ref, degT_ref, b_ref, o_ref):
    deg = degT_ref[:, 0:1] + degT_ref[:, 1:2] + 1.0
    dis = lax.rsqrt(deg)
    acc = p0_ref[0] + p1_ref[0] + g_ref[...]
    o_ref[...] = jnp.maximum(dis * acc + b_ref[...], 0.0)


_RB = 1000


def kernel(x, edge_index, W, b):
    src1 = edge_index[0].astype(jnp.int32)
    dst1 = edge_index[1].astype(jnp.int32)
    zrows = jnp.zeros((B, C), jnp.float32)

    h = pl.pallas_call(
        _mm_body,
        grid=(N // _RB,),
        in_specs=[
            pl.BlockSpec((_RB, C), lambda i: (i, 0)),
            pl.BlockSpec((C, C), lambda i: (0, 0)),
        ],
        out_specs=pl.BlockSpec((_RB, C), lambda i: (i, 0)),
        out_shape=jax.ShapeDtypeStruct((N, C), jnp.float32),
    )(x, W)

    degw = _deg_kernel(dst1)
    degT = degw[:, :N].T

    g = pl.pallas_call(
        _scale_body,
        grid=(N // _RB,),
        in_specs=[
            pl.BlockSpec((_RB, C), lambda i: (i, 0)),
            pl.BlockSpec((_RB, 2), lambda i: (i, 0)),
        ],
        out_specs=pl.BlockSpec((_RB, C), lambda i: (i, 0)),
        out_shape=jax.ShapeDtypeStruct((N, C), jnp.float32),
    )(h, degT)

    parts = _agg_kernel(g, src1, dst1, zrows)

    out = pl.pallas_call(
        _fin_body,
        grid=(N // _RB,),
        in_specs=[
            pl.BlockSpec((1, _RB, C), lambda i: (0, i, 0)),
            pl.BlockSpec((1, _RB, C), lambda i: (1, i, 0)),
            pl.BlockSpec((_RB, C), lambda i: (i, 0)),
            pl.BlockSpec((_RB, 2), lambda i: (i, 0)),
            pl.BlockSpec((1, C), lambda i: (0, 0)),
        ],
        out_specs=pl.BlockSpec((_RB, C), lambda i: (i, 0)),
        out_shape=jax.ShapeDtypeStruct((N, C), jnp.float32),
    )(parts, parts, g, degT, b.reshape(1, C))
    return out

# --- scband reference (transcript-rebuilt; emitter-appended) ---
"""Pipeline reference for scband-gnnlayer-16561393893518 (READ-ONLY COPY).

The authoritative reference and input builder live on the scoring server;
editing this copy changes nothing except your own understanding.
"""

import jax, jax.numpy as jnp
import numpy as np

N_NODES = 10000
N_EDGES = 320000
IN_CH = 128
OUT_CH = 128


def setup_inputs(seed: int = 0) -> dict:
    key = jax.random.key(seed)
    k1, k2, k3, k4 = jax.random.split(key, 4)
    x = jax.random.normal(k1, (N_NODES, IN_CH), dtype=jnp.float32)
    edge_index = jax.random.randint(k2, (2, N_EDGES), 0, N_NODES, dtype=jnp.int64)
    # GCNConv linear weight (in, out) and bias (out,)
    W = jax.random.normal(k3, (IN_CH, OUT_CH), dtype=jnp.float32) * (1.0 / np.sqrt(IN_CH))
    b = jnp.zeros((OUT_CH,), dtype=jnp.float32)
    return {"x": x, "edge_index": edge_index, "W": W, "b": b}


def reference(x, edge_index, W, b):
    # Faithful GCNConv (PyG defaults): add self-loops, symmetric normalization,
    # linear transform, scatter-add aggregation, bias, then outer ReLU (GNNLayer).
    N = x.shape[0]
    src = edge_index[0]
    dst = edge_index[1]
    loop = jnp.arange(N, dtype=edge_index.dtype)
    src = jnp.concatenate([src, loop])
    dst = jnp.concatenate([dst, loop])

    # degree computed on destination (col) with unit edge weights
    deg = jnp.zeros((N,), dtype=x.dtype).at[dst].add(1.0)
    deg_inv_sqrt = jnp.where(deg > 0, deg ** -0.5, 0.0)
    norm = deg_inv_sqrt[src] * deg_inv_sqrt[dst]

    h = x @ W  # linear transform first (standard GCNConv)
    msgs = h[src] * norm[:, None]  # gather + scale
    out = jax.ops.segment_sum(msgs, dst, num_segments=N)  # scatter-add
    out = out + b
    return jax.nn.relu(out)

if __name__ == "__main__":
    import jax
    _d = setup_inputs()
    print(jax.jit(kernel)(*tuple(_d.values())))

</pallas_src>

<mosaic_0001>
#map = affine_map<(d0, d1) -> (0)>
#map1 = affine_map<(d0, d1) -> (0, 0)>
module attributes {stable_mosaic.version = 14 : i64} {
  func.func @_deg_kernel(%arg0: i32, %arg1: i32, %arg2: memref<320000xi32, #tpu.memory_space<hbm>>, %arg3: memref<2x10240xf32, #tpu.memory_space<hbm>>, %arg4: memref<10000xi32, #tpu.memory_space<vmem>>, %arg5: memref<128xi32, #tpu.memory_space<vmem>>, %arg6: memref<128xf32, #tpu.memory_space<vmem>>, %arg7: memref<640xf32, #tpu.memory_space<vmem>>, %arg8: memref<10240xf32, #tpu.memory_space<vmem_shared>>) attributes {dimension_semantics = [#tpu.dimension_semantics<core_parallel>, #tpu.dimension_semantics<subcore_parallel>], iteration_bounds = array<i64: 2, 16>, scalar_prefetch = 0 : i64, scratch_operands = 5 : i64, tpu.core_type = #tpu.core_type<sc_vector_subcore>, window_params = [{transform_indices = #map}, {transform_indices = #map1}]} {
    %mul3A = arith.constant 16 : i32
    %mul3A_0 = arith.muli %arg0, %mul3A : i32
    %add3A = arith.addi %mul3A_0, %arg1 : i32
    %mul3A_1 = arith.constant 10000 : i32
    %mul3A_2 = arith.muli %add3A, %mul3A_1 : i32
    %multiple_of3A = tpu.assume_multiple %mul3A_2, 8 : i32
    "tpu.region"() ({
      %run_scoped3A = tpu.sem_alloc : memref<!tpu.dma_semaphore, #tpu.memory_space<semaphore_mem>>
      %dma_start3A = tpu.memref_slice %arg2[%multiple_of3A] : memref<320000xi32, #tpu.memory_space<hbm>> -> memref<10000xi32, #tpu.memory_space<hbm>>
      %dma_start3A_355 = tpu.memref_slice %arg2[%multiple_of3A] : memref<320000xi32, #tpu.memory_space<hbm>> -> memref<10000xi32, #tpu.memory_space<hbm>>
      tpu.enqueue_dma source(%dma_start3A_355 : memref<10000xi32, #tpu.memory_space<hbm>>) target(%arg4 : memref<10000xi32, #tpu.memory_space<vmem>>) target_semaphore(%run_scoped3A : memref<!tpu.dma_semaphore, #tpu.memory_space<semaphore_mem>>)
      %dma_wait3A = tpu.memref_slice %arg2[%multiple_of3A] : memref<320000xi32, #tpu.memory_space<hbm>> -> memref<10000xi32, #tpu.memory_space<hbm>>
      %dma_wait3A_356 = tpu.memref_slice %arg2[%multiple_of3A] : memref<320000xi32, #tpu.memory_space<hbm>> -> memref<10000xi32, #tpu.memory_space<hbm>>
      tpu.wait_dma2 semaphore(%run_scoped3A : memref<!tpu.dma_semaphore, #tpu.memory_space<semaphore_mem>>) src(%dma_wait3A_356 : memref<10000xi32, #tpu.memory_space<hbm>>) dst(%arg4 : memref<10000xi32, #tpu.memory_space<vmem>>)
      tpu.yield
    }) : () -> ()
    %broadcast_in_dim3A = arith.constant 1.000000e+00 : f32
    %broadcast_in_dim3A_3 = vector.broadcast %broadcast_in_dim3A : f32 to vector<16xf32>
    %swap3A = arith.constant 0 : index
    %swap3A_4 = tpu.vector_load %arg6[%swap3A] {strides = array<i32>} : memref<128xf32, #tpu.memory_space<vmem>>, vector<16xf32>,
    %swap3A_5 = vector.shape_cast %swap3A_4 : vector<16xf32> to vector<16xf32>
    %swap3A_6 = vector.shape_cast %broadcast_in_dim3A_3 : vector<16xf32> to vector<16xf32>
    tpu.vector_store %arg6[%swap3A], %swap3A_6 {strides = array<i32>} : memref<128xf32, #tpu.memory_space<vmem>>, vector<16xf32>,
    %broadcast_in_dim3A_7 = arith.constant 1.000000e+00 : f32
    %broadcast_in_dim3A_8 = vector.broadcast %broadcast_in_dim3A_7 : f32 to vector<16xf32>
    %swap3A_9 = arith.constant 16 : index
    %swap3A_10 = tpu.vector_load %arg6[%swap3A_9] {strides = array<i32>} : memref<128xf32, #tpu.memory_space<vmem>>, vector<16xf32>,
    %swap3A_11 = vector.shape_cast %swap3A_10 : vector<16xf32> to vector<16xf32>
    %swap3A_12 = vector.shape_cast %broadcast_in_dim3A_8 : vector<16xf32> to vector<16xf32>
    tpu.vector_store %arg6[%swap3A_9], %swap3A_12 {strides = array<i32>} : memref<128xf32, #tpu.memory_space<vmem>>, vector<16xf32>,
    %broadcast_in_dim3A_13 = arith.constant 1.000000e+00 : f32
    %broadcast_in_dim3A_14 = vector.broadcast %broadcast_in_dim3A_13 : f32 to vector<16xf32>
    %swap3A_15 = arith.constant 32 : index
    %swap3A_16 = tpu.vector_load %arg6[%swap3A_15] {strides = array<i32>} : memref<128xf32, #tpu.memory_space<vmem>>, vector<16xf32>,
    %swap3A_17 = vector.shape_cast %swap3A_16 : vector<16xf32> to vector<16xf32>
    %swap3A_18 = vector.shape_cast %broadcast_in_dim3A_14 : vector<16xf32> to vector<16xf32>
    tpu.vector_store %arg6[%swap3A_15], %swap3A_18 {strides = array<i32>} : memref<128xf32, #tpu.memory_space<vmem>>, vector<16xf32>,
    %broadcast_in_dim3A_19 = arith.constant 1.000000e+00 : f32
    %broadcast_in_dim3A_20 = vector.broadcast %broadcast_in_dim3A_19 : f32 to vector<16xf32>
    %swap3A_21 = arith.constant 48 : index
    %swap3A_22 = tpu.vector_load %arg6[%swap3A_21] {strides = array<i32>} : memref<128xf32, #tpu.memory_space<vmem>>, vector<16xf32>,
    %swap3A_23 = vector.shape_cast %swap3A_22 : vector<16xf32> to vector<16xf32>
    %swap3A_24 = vector.shape_cast %broadcast_in_dim3A_20 : vector<16xf32> to vector<16xf32>
    tpu.vector_store %arg6[%swap3A_21], %swap3A_24 {strides = array<i32>} : memref<128xf32, #tpu.memory_space<vmem>>, vector<16xf32>,
    %broadcast_in_dim3A_25 = arith.constant 1.000000e+00 : f32
    %broadcast_in_dim3A_26 = vector.broadcast %broadcast_in_dim3A_25 : f32 to vector<16xf32>
    %swap3A_27 = arith.constant 64 : index
    %swap3A_28 = tpu.vector_load %arg6[%swap3A_27] {strides = array<i32>} : memref<128xf32, #tpu.memory_space<vmem>>, vector<16xf32>,
    %swap3A_29 = vector.shape_cast %swap3A_28 : vector<16xf32> to vector<16xf32>
    %swap3A_30 = vector.shape_cast %broadcast_in_dim3A_26 : vector<16xf32> to vector<16xf32>
    tpu.vector_store %arg6[%swap3A_27], %swap3A_30 {strides = array<i32>} : memref<128xf32, #tpu.memory_space<vmem>>, vector<16xf32>,
    %broadcast_in_dim3A_31 = arith.constant 1.000000e+00 : f32
    %broadcast_in_dim3A_32 = vector.broadcast %broadcast_in_dim3A_31 : f32 to vector<16xf32>
    %swap3A_33 = arith.constant 80 : index
    %swap3A_34 = tpu.vector_load %arg6[%swap3A_33] {strides = array<i32>} : memref<128xf32, #tpu.memory_space<vmem>>, vector<16xf32>,
    %swap3A_35 = vector.shape_cast %swap3A_34 : vector<16xf32> to vector<16xf32>
    %swap3A_36 = vector.shape_cast %broadcast_in_dim3A_32 : vector<16xf32> to vector<16xf32>
    tpu.vector_store %arg6[%swap3A_33], %swap3A_36 {strides = array<i32>} : memref<128xf32, #tpu.memory_space<vmem>>, vector<16xf32>,
    %broadcast_in_dim3A_37 = arith.constant 1.000000e+00 : f32
    %broadcast_in_dim3A_38 = vector.broadcast %broadcast_in_dim3A_37 : f32 to vector<16xf32>
    %swap3A_39 = arith.constant 96 : index
    %swap3A_40 = tpu.vector_load %arg6[%swap3A_39] {strides = array<i32>} : memref<128xf32, #tpu.memory_space<vmem>>, vector<16xf32>,
    %swap3A_41 = vector.shape_cast %swap3A_40 : vector<16xf32> to vector<16xf32>
    %swap3A_42 = vector.shape_cast %broadcast_in_dim3A_38 : vector<16xf32> to vector<16xf32>
    tpu.vector_store %arg6[%swap3A_39], %swap3A_42 {strides = array<i32>} : memref<128xf32, #tpu.memory_space<vmem>>, vector<16xf32>,
    %broadcast_in_dim3A_43 = arith.constant 1.000000e+00 : f32
    %broadcast_in_dim3A_44 = vector.broadcast %broadcast_in_dim3A_43 : f32 to vector<16xf32>
    %swap3A_45 = arith.constant 112 : index
    %swap3A_46 = tpu.vector_load %arg6[%swap3A_45] {strides = array<i32>} : memref<128xf32, #tpu.memory_space<vmem>>, vector<16xf32>,
    %swap3A_47 = vector.shape_cast %swap3A_46 : vector<16xf32> to vector<16xf32>
    %swap3A_48 = vector.shape_cast %broadcast_in_dim3A_44 : vector<16xf32> to vector<16xf32>
    tpu.vector_store %arg6[%swap3A_45], %swap3A_48 {strides = array<i32>} : memref<128xf32, #tpu.memory_space<vmem>>, vector<16xf32>,
    %broadcast_in_dim3A_49 = arith.constant 0.000000e+00 : f32
    %broadcast_in_dim3A_50 = vector.broadcast %broadcast_in_dim3A_49 : f32 to vector<16xf32>
    %swap3A_51 = arith.constant 0 : index
    %swap3A_52 = tpu.vector_load %arg7[%swap3A_51] {strides = array<i32>} : memref<640xf32, #tpu.memory_space<vmem>>, vector<16xf32>,
    %swap3A_53 = vector.shape_cast %swap3A_52 : vector<16xf32> to vector<16xf32>
    %swap3A_54 = vector.shape_cast %broadcast_in_dim3A_50 : vector<16xf32> to vector<16xf32>
    tpu.vector_store %arg7[%swap3A_51], %swap3A_54 {strides = array<i32>} : memref<640xf32, #tpu.memory_space<vmem>>, vector<16xf32>,
    %broadcast_in_dim3A_55 = arith.constant 0.000000e+00 : f32
    %broadcast_in_dim3A_56 = vector.broadcast %broadcast_in_dim3A_55 : f32 to vector<16xf32>
    %swap3A_57 = arith.constant 16 : index
    %swap3A_58 = tpu.vector_load %arg7[%swap3A_57] {strides = array<i32>} : memref<640xf32, #tpu.memory_space<vmem>>, vector<16xf32>,
    %swap3A_59 = vector.shape_cast %swap3A_58 : vector<16xf32> to vector<16xf32>
    %swap3A_60 = vector.shape_cast %broadcast_in_dim3A_56 : vector<16xf32> to vector<16xf32>
    tpu.vector_store %arg7[%swap3A_57], %swap3A_60 {strides = array<i32>} : memref<640xf32, #tpu.memory_space<vmem>>, vector<16xf32>,
    %broadcast_in_dim3A_61 = arith.constant 0.000000e+00 : f32
    %broadcast_in_dim3A_62 = vector.broadcast %broadcast_in_dim3A_61 : f32 to vector<16xf32>
    %swap3A_63 = arith.constant 32 : index
    %swap3A_64 = tpu.vector_load %arg7[%swap3A_63] {strides = array<i32>} : memref<640xf32, #tpu.memory_space<vmem>>, vector<16xf32>,
    %swap3A_65 = vector.shape_cast %swap3A_64 : vector<16xf32> to vector<16xf32>
    %swap3A_66 = vector.shape_cast %broadcast_in_dim3A_62 : vector<16xf32> to vector<16xf32>
    tpu.vector_store %arg7[%swap3A_63], %swap3A_66 {strides = array<i32>} : memref<640xf32, #tpu.memory_space<vmem>>, vector<16xf32>,
    %broadcast_in_dim3A_67 = arith.constant 0.000000e+00 : f32
    %broadcast_in_dim3A_68 = vector.broadcast %broadcast_in_dim3A_67 : f32 to vector<16xf32>
    %swap3A_69 = arith.constant 48 : index
    %swap3A_70 = tpu.vector_load %arg7[%swap3A_69] {strides = array<i32>} : memref<640xf32, #tpu.memory_space<vmem>>, vector<16xf32>,
    %swap3A_71 = vector.shape_cast %swap3A_70 : vector<16xf32> to vector<16xf32>
    %swap3A_72 = vector.shape_cast %broadcast_in_dim3A_68 : vector<16xf32> to vector<16xf32>
    tpu.vector_store %arg7[%swap3A_69], %swap3A_72 {strides = array<i32>} : memref<640xf32, #tpu.memory_space<vmem>>, vector<16xf32>,
    %broadcast_in_dim3A_73 = arith.constant 0.000000e+00 : f32
    %broadcast_in_dim3A_74 = vector.broadcast %broadcast_in_dim3A_73 : f32 to vector<16xf32>
    %swap3A_75 = arith.constant 64 : index
    %swap3A_76 = tpu.vector_load %arg7[%swap3A_75] {strides = array<i32>} : memref<640xf32, #tpu.memory_space<vmem>>, vector<16xf32>,
    %swap3A_77 = vector.shape_cast %swap3A_76 : vector<16xf32> to vector<16xf32>
    %swap3A_78 = vector.shape_cast %broadcast_in_dim3A_74 : vector<16xf32> to vector<16xf32>
    tpu.vector_store %arg7[%swap3A_75], %swap3A_78 {strides = array<i32>} : memref<640xf32, #tpu.memory_space<vmem>>, vector<16xf32>,
    %broadcast_in_dim3A_79 = arith.constant 0.000000e+00 : f32
    %broadcast_in_dim3A_80 = vector.broadcast %broadcast_in_dim3A_79 : f32 to vector<16xf32>
    %swap3A_81 = arith.constant 80 : index
    %swap3A_82 = tpu.vector_load %arg7[%swap3A_81] {strides = array<i32>} : memref<640xf32, #tpu.memory_space<vmem>>, vector<16xf32>,
    %swap3A_83 = vector.shape_cast %swap3A_82 : vector<16xf32> to vector<16xf32>
    %swap3A_84 = vector.shape_cast %broadcast_in_dim3A_80 : vector<16xf32> to vector<16xf32>
    tpu.vector_store %arg7[%swap3A_81], %swap3A_84 {strides = array<i32>} : memref<640xf32, #tpu.memory_space<vmem>>, vector<16xf32>,
    %broadcast_in_dim3A_85 = arith.constant 0.000000e+00 : f32
    %broadcast_in_dim3A_86 = vector.broadcast %broadcast_in_dim3A_85 : f32 to vector<16xf32>
    %swap3A_87 = arith.constant 96 : index
    %swap3A_88 = tpu.vector_load %arg7[%swap3A_87] {strides = array<i32>} : memref<640xf32, #tpu.memory_space<vmem>>, vector<16xf32>,
    %swap3A_89 = vector.shape_cast %swap3A_88 : vector<16xf32> to vector<16xf32>
    %swap3A_90 = vector.shape_cast %broadcast_in_dim3A_86 : vector<16xf32> to vector<16xf32>
    tpu.vector_store %arg7[%swap3A_87], %swap3A_90 {strides = array<i32>} : memref<640xf32, #tpu.memory_space<vmem>>, vector<16xf32>,
    %broadcast_in_dim3A_91 = arith.constant 0.000000e+00 : f32
    %broadcast_in_dim3A_92 = vector.broadcast %broadcast_in_dim3A_91 : f32 to vector<16xf32>
    %swap3A_93 = arith.constant 112 : index
    %swap3A_94 = tpu.vector_load %arg7[%swap3A_93] {strides = array<i32>} : memref<640xf32, #tpu.memory_space<vmem>>, vector<16xf32>,
    %swap3A_95 = vector.shape_cast %swap3A_94 : vector<16xf32> to vector<16xf32>
    %swap3A_96 = vector.shape_cast %broadcast_in_dim3A_92 : vector<16xf32> to vector<16xf32>
    tpu.vector_store %arg7[%swap3A_93], %swap3A_96 {strides = array<i32>} : memref<640xf32, #tpu.memory_space<vmem>>, vector<16xf32>,
    %broadcast_in_dim3A_97 = arith.constant 0.000000e+00 : f32
    %broadcast_in_dim3A_98 = vector.broadcast %broadcast_in_dim3A_97 : f32 to vector<16xf32>
    %swap3A_99 = arith.constant 128 : index
    %swap3A_100 = tpu.vector_load %arg7[%swap3A_99] {strides = array<i32>} : memref<640xf32, #tpu.memory_space<vmem>>, vector<16xf32>,
    %swap3A_101 = vector.shape_cast %swap3A_100 : vector<16xf32> to vector<16xf32>
    %swap3A_102 = vector.shape_cast %broadcast_in_dim3A_98 : vector<16xf32> to vector<16xf32>
    tpu.vector_store %arg7[%swap3A_99], %swap3A_102 {strides = array<i32>} : memref<640xf32, #tpu.memory_space<vmem>>, vector<16xf32>,
    %broadcast_in_dim3A_103 = arith.constant 0.000000e+00 : f32
    %broadcast_in_dim3A_104 = vector.broadcast %broadcast_in_dim3A_103 : f32 to vector<16xf32>
    %swap3A_105 = arith.constant 144 : index
    %swap3A_106 = tpu.vector_load %arg7[%swap3A_105] {strides = array<i32>} : memref<640xf32, #tpu.memory_space<vmem>>, vector<16xf32>,
    %swap3A_107 = vector.shape_cast %swap3A_106 : vector<16xf32> to vector<16xf32>
    %swap3A_108 = vector.shape_cast %broadcast_in_dim3A_104 : vector<16xf32> to vector<16xf32>
    tpu.vector_store %arg7[%swap3A_105], %swap3A_108 {strides = array<i32>} : memref<640xf32, #tpu.memory_space<vmem>>, vector<16xf32>,
    %broadcast_in_dim3A_109 = arith.constant 0.000000e+00 : f32
    %broadcast_in_dim3A_110 = vector.broadcast %broadcast_in_dim3A_109 : f32 to vector<16xf32>
    %swap3A_111 = arith.constant 160 : index
    %swap3A_112 = tpu.vector_load %arg7[%swap3A_111] {strides = array<i32>} : memref<640xf32, #tpu.memory_space<vmem>>, vector<16xf32>,
    %swap3A_113 = vector.shape_cast %swap3A_112 : vector<16xf32> to vector<16xf32>
    %swap3A_114 = vector.shape_cast %broadcast_in_dim3A_110 : vector<16xf32> to vector<16xf32>
    tpu.vector_store %arg7[%swap3A_111], %swap3A_114 {strides = array<i32>} : memref<640xf32, #tpu.memory_space<vmem>>, vector<16xf32>,
    %broadcast_in_dim3A_115 = arith.constant 0.000000e+00 : f32
    %broadcast_in_dim3A_116 = vector.broadcast %broadcast_in_dim3A_115 : f32 to vector<16xf32>
    %swap3A_117 = arith.constant 176 : index
    %swap3A_118 = tpu.vector_load %arg7[%swap3A_117] {strides = array<i32>} : memref<640xf32, #tpu.memory_space<vmem>>, vector<16xf32>,
    %swap3A_119 = vector.shape_cast %swap3A_118 : vector<16xf32> to vector<16xf32>
    %swap3A_120 = vector.shape_cast %broadcast_in_dim3A_116 : vector<16xf32> to vector<16xf32>
    tpu.vector_store %arg7[%swap3A_117], %swap3A_120 {strides = array<i32>} : memref<640xf32, #tpu.memory_space<vmem>>, vector<16xf32>,
    %broadcast_in_dim3A_121 = arith.constant 0.000000e+00 : f32
    %broadcast_in_dim3A_122 = vector.broadcast %broadcast_in_dim3A_121 : f32 to vector<16xf32>
    %swap3A_123 = arith.constant 192 : index
    %swap3A_124 = tpu.vector_load %arg7[%swap3A_123] {strides = array<i32>} : memref<640xf32, #tpu.memory_space<vmem>>, vector<16xf32>,
    %swap3A_125 = vector.shape_cast %swap3A_124 : vector<16xf32> to vector<16xf32>
    %swap3A_126 = vector.shape_cast %broadcast_in_dim3A_122 : vector<16xf32> to vector<16xf32>
    tpu.vector_store %arg7[%swap3A_123], %swap3A_126 {strides = array<i32>} : memref<640xf32, #tpu.memory_space<vmem>>, vector<16xf32>,
    %broadcast_in_dim3A_127 = arith.constant 0.000000e+00 : f32
    %broadcast_in_dim3A_128 = vector.broadcast %broadcast_in_dim3A_127 : f32 to vector<16xf32>
    %swap3A_129 = arith.constant 208 : index
    %swap3A_130 = tpu.vector_load %arg7[%swap3A_129] {strides = array<i32>} : memref<640xf32, #tpu.memory_space<vmem>>, vector<16xf32>,
    %swap3A_131 = vector.shape_cast %swap3A_130 : vector<16xf32> to vector<16xf32>
    %swap3A_132 = vector.shape_cast %broadcast_in_dim3A_128 : vector<16xf32> to vector<16xf32>
    tpu.vector_store %arg7[%swap3A_129], %swap3A_132 {strides = array<i32>} : memref<640xf32, #tpu.memory_space<vmem>>, vector<16xf32>,
    %broadcast_in_dim3A_133 = arith.constant 0.000000e+00 : f32
    %broadcast_in_dim3A_134 = vector.broadcast %broadcast_in_dim3A_133 : f32 to vector<16xf32>
    %swap3A_135 = arith.constant 224 : index
    %swap3A_136 = tpu.vector_load %arg7[%swap3A_135] {strides = array<i32>} : memref<640xf32, #tpu.memory_space<vmem>>, vector<16xf32>,
    %swap3A_137 = vector.shape_cast %swap3A_136 : vector<16xf32> to vector<16xf32>
    %swap3A_138 = vector.shape_cast %broadcast_in_dim3A_134 : vector<16xf32> to vector<16xf32>
    tpu.vector_store %arg7[%swap3A_135], %swap3A_138 {strides = array<i32>} : memref<640xf32, #tpu.memory_space<vmem>>, vector<16xf32>,
    %broadcast_in_dim3A_139 = arith.constant 0.000000e+00 : f32
    %broadcast_in_dim3A_140 = vector.broadcast %broadcast_in_dim3A_139 : f32 to vector<16xf32>
    %swap3A_141 = arith.constant 240 : index
    %swap3A_142 = tpu.vector_load %arg7[%swap3A_141] {strides = array<i32>} : memref<640xf32, #tpu.memory_space<vmem>>, vector<16xf32>,
    %swap3A_143 = vector.shape_cast %swap3A_142 : vector<16xf32> to vector<16xf32>
    %swap3A_144 = vector.shape_cast %broadcast_in_dim3A_140 : vector<16xf32> to vector<16xf32>
    tpu.vector_store %arg7[%swap3A_141], %swap3A_144 {strides = array<i32>} : memref<640xf32, #tpu.memory_space<vmem>>, vector<16xf32>,
    %broadcast_in_dim3A_145 = arith.constant 0.000000e+00 : f32
    %broadcast_in_dim3A_146 = vector.broadcast %broadcast_in_dim3A_145 : f32 to vector<16xf32>
    %swap3A_147 = arith.constant 256 : index
    %swap3A_148 = tpu.vector_load %arg7[%swap3A_147] {strides = array<i32>} : memref<640xf32, #tpu.memory_space<vmem>>, vector<16xf32>,
    %swap3A_149 = vector.shape_cast %swap3A_148 : vector<16xf32> to vector<16xf32>
    %swap3A_150 = vector.shape_cast %broadcast_in_dim3A_146 : vector<16xf32> to vector<16xf32>
    tpu.vector_store %arg7[%swap3A_147], %swap3A_150 {strides = array<i32>} : memref<640xf32, #tpu.memory_space<vmem>>, vector<16xf32>,
    %broadcast_in_dim3A_151 = arith.constant 0.000000e+00 : f32
    %broadcast_in_dim3A_152 = vector.broadcast %broadcast_in_dim3A_151 : f32 to vector<16xf32>
    %swap3A_153 = arith.constant 272 : index
    %swap3A_154 = tpu.vector_load %arg7[%swap3A_153] {strides = array<i32>} : memref<640xf32, #tpu.memory_space<vmem>>, vector<16xf32>,
    %swap3A_155 = vector.shape_cast %swap3A_154 : vector<16xf32> to vector<16xf32>
    %swap3A_156 = vector.shape_cast %broadcast_in_dim3A_152 : vector<16xf32> to vector<16xf32>
    tpu.vector_store %arg7[%swap3A_153], %swap3A_156 {strides = array<i32>} : memref<640xf32, #tpu.memory_space<vmem>>, vector<16xf32>,
    %broadcast_in_dim3A_157 = arith.constant 0.000000e+00 : f32
    %broadcast_in_dim3A_158 = vector.broadcast %broadcast_in_dim3A_157 : f32 to vector<16xf32>
    %swap3A_159 = arith.constant 288 : index
    %swap3A_160 = tpu.vector_load %arg7[%swap3A_159] {strides = array<i32>} : memref<640xf32, #tpu.memory_space<vmem>>, vector<16xf32>,
    %swap3A_161 = vector.shape_cast %swap3A_160 : vector<16xf32> to vector<16xf32>
    %swap3A_162 = vector.shape_cast %broadcast_in_dim3A_158 : vector<16xf32> to vector<16xf32>
    tpu.vector_store %arg7[%swap3A_159], %swap3A_162 {strides = array<i32>} : memref<640xf32, #tpu.memory_space<vmem>>, vector<16xf32>,
    %broadcast_in_dim3A_163 = arith.constant 0.000000e+00 : f32
    %broadcast_in_dim3A_164 = vector.broadcast %broadcast_in_dim3A_163 : f32 to vector<16xf32>
    %swap3A_165 = arith.constant 304 : index
    %swap3A_166 = tpu.vector_load %arg7[%swap3A_165] {strides = array<i32>} : memref<640xf32, #tpu.memory_space<vmem>>, vector<16xf32>,
    %swap3A_167 = vector.shape_cast %swap3A_166 : vector<16xf32> to vector<16xf32>
    %swap3A_168 = vector.shape_cast %broadcast_in_dim3A_164 : vector<16xf32> to vector<16xf32>
    tpu.vector_store %arg7[%swap3A_165], %swap3A_168 {strides = array<i32>} : memref<640xf32, #tpu.memory_space<vmem>>, vector<16xf32>,
    %broadcast_in_dim3A_169 = arith.constant 0.000000e+00 : f32
    %broadcast_in_dim3A_170 = vector.broadcast %broadcast_in_dim3A_169 : f32 to vector<16xf32>
    %swap3A_171 = arith.constant 320 : index
    %swap3A_172 = tpu.vector_load %arg7[%swap3A_171] {strides = array<i32>} : memref<640xf32, #tpu.memory_space<vmem>>, vector<16xf32>,
    %swap3A_173 = vector.shape_cast %swap3A_172 : vector<16xf32> to vector<16xf32>
    %swap3A_174 = vector.shape_cast %broadcast_in_dim3A_170 : vector<16xf32> to vector<16xf32>
    tpu.vector_store %arg7[%swap3A_171], %swap3A_174 {strides = array<i32>} : memref<640xf32, #tpu.memory_space<vmem>>, vector<16xf32>,
    %broadcast_in_dim3A_175 = arith.constant 0.000000e+00 : f32
    %broadcast_in_dim3A_176 = vector.broadcast %broadcast_in_dim3A_175 : f32 to vector<16xf32>
    %swap3A_177 = arith.constant 336 : index
    %swap3A_178 = tpu.vector_load %arg7[%swap3A_177] {strides = array<i32>} : memref<640xf32, #tpu.memory_space<vmem>>, vector<16xf32>,
    %swap3A_179 = vector.shape_cast %swap3A_178 : vector<16xf32> to vector<16xf32>
    %swap3A_180 = vector.shape_cast %broadcast_in_dim3A_176 : vector<16xf32> to vector<16xf32>
    tpu.vector_store %arg7[%swap3A_177], %swap3A_180 {strides = array<i32>} : memref<640xf32, #tpu.memory_space<vmem>>, vector<16xf32>,
    %broadcast_in_dim3A_181 = arith.constant 0.000000e+00 : f32
    %broadcast_in_dim3A_182 = vector.broadcast %broadcast_in_dim3A_181 : f32 to vector<16xf32>
    %swap3A_183 = arith.constant 352 : index
    %swap3A_184 = tpu.vector_load %arg7[%swap3A_183] {strides = array<i32>} : memref<640xf32, #tpu.memory_space<vmem>>, vector<16xf32>,
    %swap3A_185 = vector.shape_cast %swap3A_184 : vector<16xf32> to vector<16xf32>
    %swap3A_186 = vector.shape_cast %broadcast_in_dim3A_182 : vector<16xf32> to vector<16xf32>
    tpu.vector_store %arg7[%swap3A_183], %swap3A_186 {strides = array<i32>} : memref<640xf32, #tpu.memory_space<vmem>>, vector<16xf32>,
    %broadcast_in_dim3A_187 = arith.constant 0.000000e+00 : f32
    %broadcast_in_dim3A_188 = vector.broadcast %broadcast_in_dim3A_187 : f32 to vector<16xf32>
    %swap3A_189 = arith.constant 368 : index
    %swap3A_190 = tpu.vector_load %arg7[%swap3A_189] {strides = array<i32>} : memref<640xf32, #tpu.memory_space<vmem>>, vector<16xf32>,
    %swap3A_191 = vector.shape_cast %swap3A_190 : vector<16xf32> to vector<16xf32>
    %swap3A_192 = vector.shape_cast %broadcast_in_dim3A_188 : vector<16xf32> to vector<16xf32>
    tpu.vector_store %arg7[%swap3A_189], %swap3A_192 {strides = array<i32>} : memref<640xf32, #tpu.memory_space<vmem>>, vector<16xf32>,
    %broadcast_in_dim3A_193 = arith.constant 0.000000e+00 : f32
    %broadcast_in_dim3A_194 = vector.broadcast %broadcast_in_dim3A_193 : f32 to vector<16xf32>
    %swap3A_195 = arith.constant 384 : index
    %swap3A_196 = tpu.vector_load %arg7[%swap3A_195] {strides = array<i32>} : memref<640xf32, #tpu.memory_space<vmem>>, vector<16xf32>,
    %swap3A_197 = vector.shape_cast %swap3A_196 : vector<16xf32> to vector<16xf32>
    %swap3A_198 = vector.shape_cast %broadcast_in_dim3A_194 : vector<16xf32> to vector<16xf32>
    tpu.vector_store %arg7[%swap3A_195], %swap3A_198 {strides = array<i32>} : memref<640xf32, #tpu.memory_space<vmem>>, vector<16xf32>,
    %broadcast_in_dim3A_199 = arith.constant 0.000000e+00 : f32
    %broadcast_in_dim3A_200 = vector.broadcast %broadcast_in_dim3A_199 : f32 to vector<16xf32>
    %swap3A_201 = arith.constant 400 : index
    %swap3A_202 = tpu.vector_load %arg7[%swap3A_201] {strides = array<i32>} : memref<640xf32, #tpu.memory_space<vmem>>, vector<16xf32>,
    %swap3A_203 = vector.shape_cast %swap3A_202 : vector<16xf32> to vector<16xf32>
    %swap3A_204 = vector.shape_cast %broadcast_in_dim3A_200 : vector<16xf32> to vector<16xf32>
    tpu.vector_store %arg7[%swap3A_201], %swap3A_204 {strides = array<i32>} : memref<640xf32, #tpu.memory_space<vmem>>, vector<16xf32>,
    %broadcast_in_dim3A_205 = arith.constant 0.000000e+00 : f32
    %broadcast_in_dim3A_206 = vector.broadcast %broadcast_in_dim3A_205 : f32 to vector<16xf32>
    %swap3A_207 = arith.constant 416 : index
    %swap3A_208 = tpu.vector_load %arg7[%swap3A_207] {strides = array<i32>} : memref<640xf32, #tpu.memory_space<vmem>>, vector<16xf32>,
    %swap3A_209 = vector.shape_cast %swap3A_208 : vector<16xf32> to vector<16xf32>
    %swap3A_210 = vector.shape_cast %broadcast_in_dim3A_206 : vector<16xf32> to vector<16xf32>
    tpu.vector_store %arg7[%swap3A_207], %swap3A_210 {strides = array<i32>} : memref<640xf32, #tpu.memory_space<vmem>>, vector<16xf32>,
    %broadcast_in_dim3A_211 = arith.constant 0.000000e+00 : f32
    %broadcast_in_dim3A_212 = vector.broadcast %broadcast_in_dim3A_211 : f32 to vector<16xf32>
    %swap3A_213 = arith.constant 432 : index
    %swap3A_214 = tpu.vector_load %arg7[%swap3A_213] {strides = array<i32>} : memref<640xf32, #tpu.memory_space<vmem>>, vector<16xf32>,
    %swap3A_215 = vector.shape_cast %swap3A_214 : vector<16xf32> to vector<16xf32>
    %swap3A_216 = vector.shape_cast %broadcast_in_dim3A_212 : vector<16xf32> to vector<16xf32>
    tpu.vector_store %arg7[%swap3A_213], %swap3A_216 {strides = array<i32>} : memref<640xf32, #tpu.memory_space<vmem>>, vector<16xf32>,
    %broadcast_in_dim3A_217 = arith.constant 0.000000e+00 : f32
    %broadcast_in_dim3A_218 = vector.broadcast %broadcast_in_dim3A_217 : f32 to vector<16xf32>
    %swap3A_219 = arith.constant 448 : index
    %swap3A_220 = tpu.vector_load %arg7[%swap3A_219] {strides = array<i32>} : memref<640xf32, #tpu.memory_space<vmem>>, vector<16xf32>,
    %swap3A_221 = vector.shape_cast %swap3A_220 : vector<16xf32> to vector<16xf32>
    %swap3A_222 = vector.shape_cast %broadcast_in_dim3A_218 : vector<16xf32> to vector<16xf32>
    tpu.vector_store %arg7[%swap3A_219], %swap3A_222 {strides = array<i32>} : memref<640xf32, #tpu.memory_space<vmem>>, vector<16xf32>,
    %broadcast_in_dim3A_223 = arith.constant 0.000000e+00 : f32
    %broadcast_in_dim3A_224 = vector.broadcast %broadcast_in_dim3A_223 : f32 to vector<16xf32>
    %swap3A_225 = arith.constant 464 : index
    %swap3A_226 = tpu.vector_load %arg7[%swap3A_225] {strides = array<i32>} : memref<640xf32, #tpu.memory_space<vmem>>, vector<16xf32>,
    %swap3A_227 = vector.shape_cast %swap3A_226 : vector<16xf32> to vector<16xf32>
    %swap3A_228 = vector.shape_cast %broadcast_in_dim3A_224 : vector<16xf32> to vector<16xf32>
    tpu.vector_store %arg7[%swap3A_225], %swap3A_228 {strides = array<i32>} : memref<640xf32, #tpu.memory_space<vmem>>, vector<16xf32>,
    %broadcast_in_dim3A_229 = arith.constant 0.000000e+00 : f32
    %broadcast_in_dim3A_230 = vector.broadcast %broadcast_in_dim3A_229 : f32 to vector<16xf32>
    %swap3A_231 = arith.constant 480 : index
    %swap3A_232 = tpu.vector_load %arg7[%swap3A_231] {strides = array<i32>} : memref<640xf32, #tpu.memory_space<vmem>>, vector<16xf32>,
    %swap3A_233 = vector.shape_cast %swap3A_232 : vector<16xf32> to vector<16xf32>
    %swap3A_234 = vector.shape_cast %broadcast_in_dim3A_230 : vector<16xf32> to vector<16xf32>
    tpu.vector_store %arg7[%swap3A_231], %swap3A_234 {strides = array<i32>} : memref<640xf32, #tpu.memory_space<vmem>>, vector<16xf32>,
    %broadcast_in_dim3A_235 = arith.constant 0.000000e+00 : f32
    %broadcast_in_dim3A_236 = vector.broadcast %broadcast_in_dim3A_235 : f32 to vector<16xf32>
    %swap3A_237 = arith.constant 496 : index
    %swap3A_238 = tpu.vector_load %arg7[%swap3A_237] {strides = array<i32>} : memref<640xf32, #tpu.memory_space<vmem>>, vector<16xf32>,
    %swap3A_239 = vector.shape_cast %swap3A_238 : vector<16xf32> to vector<16xf32>
    %swap3A_240 = vector.shape_cast %broadcast_in_dim3A_236 : vector<16xf32> to vector<16xf32>
    tpu.vector_store %arg7[%swap3A_237], %swap3A_240 {strides = array<i32>} : memref<640xf32, #tpu.memory_space<vmem>>, vector<16xf32>,
    %broadcast_in_dim3A_241 = arith.constant 0.000000e+00 : f32
    %broadcast_in_dim3A_242 = vector.broadcast %broadcast_in_dim3A_241 : f32 to vector<16xf32>
    %swap3A_243 = arith.constant 512 : index
    %swap3A_244 = tpu.vector_load %arg7[%swap3A_243] {strides = array<i32>} : memref<640xf32, #tpu.memory_space<vmem>>, vector<16xf32>,
    %swap3A_245 = vector.shape_cast %swap3A_244 : vector<16xf32> to vector<16xf32>
    %swap3A_246 = vector.shape_cast %broadcast_in_dim3A_242 : vector<16xf32> to vector<16xf32>
    tpu.vector_store %arg7[%swap3A_243], %swap3A_246 {strides = array<i32>} : memref<640xf32, #tpu.memory_space<vmem>>, vector<16xf32>,
    %broadcast_in_dim3A_247 = arith.constant 0.000000e+00 : f32
    %broadcast_in_dim3A_248 = vector.broadcast %broadcast_in_dim3A_247 : f32 to vector<16xf32>
    %swap3A_249 = arith.constant 528 : index
    %swap3A_250 = tpu.vector_load %arg7[%swap3A_249] {strides = array<i32>} : memref<640xf32, #tpu.memory_space<vmem>>, vector<16xf32>,
    %swap3A_251 = vector.shape_cast %swap3A_250 : vector<16xf32> to vector<16xf32>
    %swap3A_252 = vector.shape_cast %broadcast_in_dim3A_248 : vector<16xf32> to vector<16xf32>
    tpu.vector_store %arg7[%swap3A_249], %swap3A_252 {strides = array<i32>} : memref<640xf32, #tpu.memory_space<vmem>>, vector<16xf32>,
    %broadcast_in_dim3A_253 = arith.constant 0.000000e+00 : f32
    %broadcast_in_dim3A_254 = vector.broadcast %broadcast_in_dim3A_253 : f32 to vector<16xf32>
    %swap3A_255 = arith.constant 544 : index
    %swap3A_256 = tpu.vector_load %arg7[%swap3A_255] {strides = array<i32>} : memref<640xf32, #tpu.memory_space<vmem>>, vector<16xf32>,
    %swap3A_257 = vector.shape_cast %swap3A_256 : vector<16xf32> to vector<16xf32>
    %swap3A_258 = vector.shape_cast %broadcast_in_dim3A_254 : vector<16xf32> to vector<16xf32>
    tpu.vector_store %arg7[%swap3A_255], %swap3A_258 {strides = array<i32>} : memref<640xf32, #tpu.memory_space<vmem>>, vector<16xf32>,
    %broadcast_in_dim3A_259 = arith.constant 0.000000e+00 : f32
    %broadcast_in_dim3A_260 = vector.broadcast %broadcast_in_dim3A_259 : f32 to vector<16xf32>
    %swap3A_261 = arith.constant 560 : index
    %swap3A_262 = tpu.vector_load %arg7[%swap3A_261] {strides = array<i32>} : memref<640xf32, #tpu.memory_space<vmem>>, vector<16xf32>,
    %swap3A_263 = vector.shape_cast %swap3A_262 : vector<16xf32> to vector<16xf32>
    %swap3A_264 = vector.shape_cast %broadcast_in_dim3A_260 : vector<16xf32> to vector<16xf32>
    tpu.vector_store %arg7[%swap3A_261], %swap3A_264 {strides = array<i32>} : memref<640xf32, #tpu.memory_space<vmem>>, vector<16xf32>,
    %broadcast_in_dim3A_265 = arith.constant 0.000000e+00 : f32
    %broadcast_in_dim3A_266 = vector.broadcast %broadcast_in_dim3A_265 : f32 to vector<16xf32>
    %swap3A_267 = arith.constant 576 : index
    %swap3A_268 = tpu.vector_load %arg7[%swap3A_267] {strides = array<i32>} : memref<640xf32, #tpu.memory_space<vmem>>, vector<16xf32>,
    %swap3A_269 = vector.shape_cast %swap3A_268 : vector<16xf32> to vector<16xf32>
    %swap3A_270 = vector.shape_cast %broadcast_in_dim3A_266 : vector<16xf32> to vector<16xf32>
    tpu.vector_store %arg7[%swap3A_267], %swap3A_270 {strides = array<i32>} : memref<640xf32, #tpu.memory_space<vmem>>, vector<16xf32>,
    %broadcast_in_dim3A_271 = arith.constant 0.000000e+00 : f32
    %broadcast_in_dim3A_272 = vector.broadcast %broadcast_in_dim3A_271 : f32 to vector<16xf32>
    %swap3A_273 = arith.constant 592 : index
    %swap3A_274 = tpu.vector_load %arg7[%swap3A_273] {strides = array<i32>} : memref<640xf32, #tpu.memory_space<vmem>>, vector<16xf32>,
    %swap3A_275 = vector.shape_cast %swap3A_274 : vector<16xf32> to vector<16xf32>
    %swap3A_276 = vector.shape_cast %broadcast_in_dim3A_272 : vector<16xf32> to vector<16xf32>
    tpu.vector_store %arg7[%swap3A_273], %swap3A_276 {strides = array<i32>} : memref<640xf32, #tpu.memory_space<vmem>>, vector<16xf32>,
    %broadcast_in_dim3A_277 = arith.constant 0.000000e+00 : f32
    %broadcast_in_dim3A_278 = vector.broadcast %broadcast_in_dim3A_277 : f32 to vector<16xf32>
    %swap3A_279 = arith.constant 608 : index
    %swap3A_280 = tpu.vector_load %arg7[%swap3A_279] {strides = array<i32>} : memref<640xf32, #tpu.memory_space<vmem>>, vector<16xf32>,
    %swap3A_281 = vector.shape_cast %swap3A_280 : vector<16xf32> to vector<16xf32>
    %swap3A_282 = vector.shape_cast %broadcast_in_dim3A_278 : vector<16xf32> to vector<16xf32>
    tpu.vector_store %arg7[%swap3A_279], %swap3A_282 {strides = array<i32>} : memref<640xf32, #tpu.memory_space<vmem>>, vector<16xf32>,
    %broadcast_in_dim3A_283 = arith.constant 0.000000e+00 : f32
    %broadcast_in_dim3A_284 = vector.broadcast %broadcast_in_dim3A_283 : f32 to vector<16xf32>
    %swap3A_285 = arith.constant 624 : index
    %swap3A_286 = tpu.vector_load %arg7[%swap3A_285] {strides = array<i32>} : memref<640xf32, #tpu.memory_space<vmem>>, vector<16xf32>,
    %swap3A_287 = vector.shape_cast %swap3A_286 : vector<16xf32> to vector<16xf32>
    %swap3A_288 = vector.shape_cast %broadcast_in_dim3A_284 : vector<16xf32> to vector<16xf32>
    tpu.vector_store %arg7[%swap3A_285], %swap3A_288 {strides = array<i32>} : memref<640xf32, #tpu.memory_space<vmem>>, vector<16xf32>,
    %mul3A_289 = arith.constant 640 : i32
    %mul3A_290 = arith.muli %arg1, %mul3A_289 : i32
    "tpu.region"() ({
      %run_scoped3A = tpu.sem_alloc : memref<!tpu.dma_semaphore, #tpu.memory_space<semaphore_mem>>
      %dma_start3A = tpu.memref_slice %arg8[%mul3A_290] : memref<10240xf32, #tpu.memory_space<vmem_shared>> -> memref<640xf32, #tpu.memory_space<vmem_shared>>
      %dma_start3A_355 = tpu.memref_slice %arg8[%mul3A_290] : memref<10240xf32, #tpu.memory_space<vmem_shared>> -> memref<640xf32, #tpu.memory_space<vmem_shared>>
      tpu.enqueue_dma source(%arg7 : memref<640xf32, #tpu.memory_space<vmem>>) target(%dma_start3A_355 : memref<640xf32, #tpu.memory_space<vmem_shared>>) target_semaphore(%run_scoped3A : memref<!tpu.dma_semaphore, #tpu.memory_space<semaphore_mem>>)
      %dma_wait3A = tpu.memref_slice %arg8[%mul3A_290] : memref<10240xf32, #tpu.memory_space<vmem_shared>> -> memref<640xf32, #tpu.memory_space<vmem_shared>>
      %dma_wait3A_356 = tpu.memref_slice %arg8[%mul3A_290] : memref<10240xf32, #tpu.memory_space<vmem_shared>> -> memref<640xf32, #tpu.memory_space<vmem_shared>>
      tpu.wait_dma2 semaphore(%run_scoped3A : memref<!tpu.dma_semaphore, #tpu.memory_space<semaphore_mem>>) src(%arg7 : memref<640xf32, #tpu.memory_space<vmem>>) dst(%dma_wait3A_356 : memref<640xf32, #tpu.memory_space<vmem_shared>>)
      tpu.yield
    }) : () -> ()
    %barrier3A = arith.constant 0 : index
    tpu.barrier barrier_id(%barrier3A)
    %scan3A = arith.constant 0 : i32
    %scan3A_291 = arith.constant 0 : i32
    %scan3A_292 = arith.constant 78 : i32
    %scan3A_293 = arith.addi %scan3A_291, %scan3A_292 : i32
    %scan3A_294 = arith.constant 1 : i32
    scf.for %scan3A_355 = %scan3A_291 to %scan3A_293 step %scan3A_294  : i32 {
      %mul3A_356 = arith.constant 128 : i32
      %mul3A_357 = arith.muli %scan3A_355, %mul3A_356 : i32
      %add3A_358 = arith.constant 0 : i32
      %add3A_359 = arith.addi %mul3A_357, %add3A_358 : i32
      %get3A_360 = arith.index_cast %add3A_359 : i32 to index
      %get3A_361 = tpu.vector_load %arg4[%get3A_360] {strides = array<i32>} : memref<10000xi32, #tpu.memory_space<vmem>>, vector<16xi32>,
      %get3A_362 = vector.shape_cast %get3A_361 : vector<16xi32> to vector<16xi32>
      %swap3A_363 = arith.constant 0 : index
      %swap3A_364 = tpu.vector_load %arg5[%swap3A_363] {strides = array<i32>} : memref<128xi32, #tpu.memory_space<vmem>>, vector<16xi32>,
      %swap3A_365 = vector.shape_cast %swap3A_364 : vector<16xi32> to vector<16xi32>
      %swap3A_366 = vector.shape_cast %get3A_362 : vector<16xi32> to vector<16xi32>
      tpu.vector_store %arg5[%swap3A_363], %swap3A_366 {strides = array<i32>} : memref<128xi32, #tpu.memory_space<vmem>>, vector<16xi32>,
      %add3A_367 = arith.constant 16 : i32
      %add3A_368 = arith.addi %mul3A_357, %add3A_367 : i32
      %get3A_369 = arith.index_cast %add3A_368 : i32 to index
      %get3A_370 = tpu.vector_load %arg4[%get3A_369] {strides = array<i32>} : memref<10000xi32, #tpu.memory_space<vmem>>, vector<16xi32>,
      %get3A_371 = vector.shape_cast %get3A_370 : vector<16xi32> to vector<16xi32>
      %swap3A_372 = arith.constant 16 : index
      %swap3A_373 = tpu.vector_load %arg5[%swap3A_372] {strides = array<i32>} : memref<128xi32, #tpu.memory_space<vmem>>, vector<16xi32>,
      %swap3A_374 = vector.shape_cast %swap3A_373 : vector<16xi32> to vector<16xi32>
      %swap3A_375 = vector.shape_cast %get3A_371 : vector<16xi32> to vector<16xi32>
      tpu.vector_store %arg5[%swap3A_372], %swap3A_375 {strides = array<i32>} : memref<128xi32, #tpu.memory_space<vmem>>, vector<16xi32>,
      %add3A_376 = arith.constant 32 : i32
      %add3A_377 = arith.addi %mul3A_357, %add3A_376 : i32
      %get3A_378 = arith.index_cast %add3A_377 : i32 to index
      %get3A_379 = tpu.vector_load %arg4[%get3A_378] {strides = array<i32>} : memref<10000xi32, #tpu.memory_space<vmem>>, vector<16xi32>,
      %get3A_380 = vector.shape_cast %get3A_379 : vector<16xi32> to vector<16xi32>
      %swap3A_381 = arith.constant 32 : index
      %swap3A_382 = tpu.vector_load %arg5[%swap3A_381] {strides = array<i32>} : memref<128xi32, #tpu.memory_space<vmem>>, vector<16xi32>,
      %swap3A_383 = vector.shape_cast %swap3A_382 : vector<16xi32> to vector<16xi32>
      %swap3A_384 = vector.shape_cast %get3A_380 : vector<16xi32> to vector<16xi32>
      tpu.vector_store %arg5[%swap3A_381], %swap3A_384 {strides = array<i32>} : memref<128xi32, #tpu.memory_space<vmem>>, vector<16xi32>,
      %add3A_385 = arith.constant 48 : i32
      %add3A_386 = arith.addi %mul3A_357, %add3A_385 : i32
      %get3A_387 = arith.index_cast %add3A_386 : i32 to index
      %get3A_388 = tpu.vector_load %arg4[%get3A_387] {strides = array<i32>} : memref<10000xi32, #tpu.memory_space<vmem>>, vector<16xi32>,
      %get3A_389 = vector.shape_cast %get3A_388 : vector<16xi32> to vector<16xi32>
      %swap3A_390 = arith.constant 48 : index
      %swap3A_391 = tpu.vector_load %arg5[%swap3A_390] {strides = array<i32>} : memref<128xi32, #tpu.memory_space<vmem>>, vector<16xi32>,
      %swap3A_392 = vector.shape_cast %swap3A_391 : vector<16xi32> to vector<16xi32>
      %swap3A_393 = vector.shape_cast %get3A_389 : vector<16xi32> to vector<16xi32>
      tpu.vector_store %arg5[%swap3A_390], %swap3A_393 {strides = array<i32>} : memref<128xi32, #tpu.memory_space<vmem>>, vector<16xi32>,
      %add3A_394 = arith.constant 64 : i32
      %add3A_395 = arith.addi %mul3A_357, %add3A_394 : i32
      %get3A_396 = arith.index_cast %add3A_395 : i32 to index
      %get3A_397 = tpu.vector_load %arg4[%get3A_396] {strides = array<i32>} : memref<10000xi32, #tpu.memory_space<vmem>>, vector<16xi32>,
      %get3A_398 = vector.shape_cast %get3A_397 : vector<16xi32> to vector<16xi32>
      %swap3A_399 = arith.constant 64 : index
      %swap3A_400 = tpu.vector_load %arg5[%swap3A_399] {strides = array<i32>} : memref<128xi32, #tpu.memory_space<vmem>>, vector<16xi32>,
      %swap3A_401 = vector.shape_cast %swap3A_400 : vector<16xi32> to vector<16xi32>
      %swap3A_402 = vector.shape_cast %get3A_398 : vector<16xi32> to vector<16xi32>
      tpu.vector_store %arg5[%swap3A_399], %swap3A_402 {strides = array<i32>} : memref<128xi32, #tpu.memory_space<vmem>>, vector<16xi32>,
      %add3A_403 = arith.constant 80 : i32
      %add3A_404 = arith.addi %mul3A_357, %add3A_403 : i32
      %get3A_405 = arith.index_cast %add3A_404 : i32 to index
      %get3A_406 = tpu.vector_load %arg4[%get3A_405] {strides = array<i32>} : memref<10000xi32, #tpu.memory_space<vmem>>, vector<16xi32>,
      %get3A_407 = vector.shape_cast %get3A_406 : vector<16xi32> to vector<16xi32>
      %swap3A_408 = arith.constant 80 : index
      %swap3A_409 = tpu.vector_load %arg5[%swap3A_408] {strides = array<i32>} : memref<128xi32, #tpu.memory_space<vmem>>, vector<16xi32>,
      %swap3A_410 = vector.shape_cast %swap3A_409 : vector<16xi32> to vector<16xi32>
      %swap3A_411 = vector.shape_cast %get3A_407 : vector<16xi32> to vector<16xi32>
      tpu.vector_store %arg5[%swap3A_408], %swap3A_411 {strides = array<i32>} : memref<128xi32, #tpu.memory_space<vmem>>, vector<16xi32>,
      %add3A_412 = arith.constant 96 : i32
      %add3A_413 = arith.addi %mul3A_357, %add3A_412 : i32
      %get3A_414 = arith.index_cast %add3A_413 : i32 to index
      %get3A_415 = tpu.vector_load %arg4[%get3A_414] {strides = array<i32>} : memref<10000xi32, #tpu.memory_space<vmem>>, vector<16xi32>,
      %get3A_416 = vector.shape_cast %get3A_415 : vector<16xi32> to vector<16xi32>
      %swap3A_417 = arith.constant 96 : index
      %swap3A_418 = tpu.vector_load %arg5[%swap3A_417] {strides = array<i32>} : memref<128xi32, #tpu.memory_space<vmem>>, vector<16xi32>,
      %swap3A_419 = vector.shape_cast %swap3A_418 : vector<16xi32> to vector<16xi32>
      %swap3A_420 = vector.shape_cast %get3A_416 : vector<16xi32> to vector<16xi32>
      tpu.vector_store %arg5[%swap3A_417], %swap3A_420 {strides = array<i32>} : memref<128xi32, #tpu.memory_space<vmem>>, vector<16xi32>,
      %add3A_421 = arith.constant 112 : i32
      %add3A_422 = arith.addi %mul3A_357, %add3A_421 : i32
      %get3A_423 = arith.index_cast %add3A_422 : i32 to index
      %get3A_424 = tpu.vector_load %arg4[%get3A_423] {strides = array<i32>} : memref<10000xi32, #tpu.memory_space<vmem>>, vector<16xi32>,
      %get3A_425 = vector.shape_cast %get3A_424 : vector<16xi32> to vector<16xi32>
      %swap3A_426 = arith.constant 112 : index
      %swap3A_427 = tpu.vector_load %arg5[%swap3A_426] {strides = array<i32>} : memref<128xi32, #tpu.memory_space<vmem>>, vector<16xi32>,
      %swap3A_428 = vector.shape_cast %swap3A_427 : vector<16xi32> to vector<16xi32>
      %swap3A_429 = vector.shape_cast %get3A_425 : vector<16xi32> to vector<16xi32>
      tpu.vector_store %arg5[%swap3A_426], %swap3A_429 {strides = array<i32>} : memref<128xi32, #tpu.memory_space<vmem>>, vector<16xi32>,
      "tpu.region"() ({
        %run_scoped3A = tpu.sem_alloc : memref<!tpu.dma_semaphore, #tpu.memory_space<semaphore_mem>>
        %dma_start3A = arith.constant 0 : i32
        %dma_start3A_430 = tpu.memref_slice %arg8[%dma_start3A] : memref<10240xf32, #tpu.memory_space<vmem_shared>> -> memref<10240xf32, #tpu.memory_space<vmem_shared>>
        tpu.enqueue_indirect_dma source(%arg6 : memref<128xf32, #tpu.memory_space<vmem>>) target(%dma_start3A_430 : memref<10240xf32, #tpu.memory_space<vmem_shared>>) offsets(%arg5 : memref<128xi32, #tpu.memory_space<vmem>>) semaphore(%run_scoped3A : memref<!tpu.dma_semaphore, #tpu.memory_space<semaphore_mem>>) {add = true}
        %dma_wait3A = arith.constant 0 : i32
        %dma_wait3A_431 = tpu.memref_slice %arg8[%dma_wait3A] : memref<10240xf32, #tpu.memory_space<vmem_shared>> -> memref<10240xf32, #tpu.memory_space<vmem_shared>>
        tpu.wait_indirect_dma semaphore(%run_scoped3A : memref<!tpu.dma_semaphore, #tpu.memory_space<semaphore_mem>>) src(%arg6 : memref<128xf32, #tpu.memory_space<vmem>>) dst(%dma_wait3A_431 : memref<10240xf32, #tpu.memory_space<vmem_shared>>)
        tpu.yield
      }) : () -> ()
    }
    %scan3A_295 = arith.constant 78 : i32
    %broadcast_in_dim3A_296 = arith.constant 10064 : i32
    %broadcast_in_dim3A_297 = vector.broadcast %broadcast_in_dim3A_296 : i32 to vector<16xi32>
    %swap3A_298 = arith.constant 0 : index
    %swap3A_299 = tpu.vector_load %arg5[%swap3A_298] {strides = array<i32>} : memref<128xi32, #tpu.memory_space<vmem>>, vector<16xi32>,
    %swap3A_300 = vector.shape_cast %swap3A_299 : vector<16xi32> to vector<16xi32>
    %swap3A_301 = vector.shape_cast %broadcast_in_dim3A_297 : vector<16xi32> to vector<16xi32>
    tpu.vector_store %arg5[%swap3A_298], %swap3A_301 {strides = array<i32>} : memref<128xi32, #tpu.memory_space<vmem>>, vector<16xi32>,
    %broadcast_in_dim3A_302 = arith.constant 10064 : i32
    %broadcast_in_dim3A_303 = vector.broadcast %broadcast_in_dim3A_302 : i32 to vector<16xi32>
    %swap3A_304 = arith.constant 16 : index
    %swap3A_305 = tpu.vector_load %arg5[%swap3A_304] {strides = array<i32>} : memref<128xi32, #tpu.memory_space<vmem>>, vector<16xi32>,
    %swap3A_306 = vector.shape_cast %swap3A_305 : vector<16xi32> to vector<16xi32>
    %swap3A_307 = vector.shape_cast %broadcast_in_dim3A_303 : vector<16xi32> to vector<16xi32>
    tpu.vector_store %arg5[%swap3A_304], %swap3A_307 {strides = array<i32>} : memref<128xi32, #tpu.memory_space<vmem>>, vector<16xi32>,
    %broadcast_in_dim3A_308 = arith.constant 10064 : i32
    %broadcast_in_dim3A_309 = vector.broadcast %broadcast_in_dim3A_308 : i32 to vector<16xi32>
    %swap3A_310 = arith.constant 32 : index
    %swap3A_311 = tpu.vector_load %arg5[%swap3A_310] {strides = array<i32>} : memref<128xi32, #tpu.memory_space<vmem>>, vector<16xi32>,
    %swap3A_312 = vector.shape_cast %swap3A_311 : vector<16xi32> to vector<16xi32>
    %swap3A_313 = vector.shape_cast %broadcast_in_dim3A_309 : vector<16xi32> to vector<16xi32>
    tpu.vector_store %arg5[%swap3A_310], %swap3A_313 {strides = array<i32>} : memref<128xi32, #tpu.memory_space<vmem>>, vector<16xi32>,
    %broadcast_in_dim3A_314 = arith.constant 10064 : i32
    %broadcast_in_dim3A_315 = vector.broadcast %broadcast_in_dim3A_314 : i32 to vector<16xi32>
    %swap3A_316 = arith.constant 48 : index
    %swap3A_317 = tpu.vector_load %arg5[%swap3A_316] {strides = array<i32>} : memref<128xi32, #tpu.memory_space<vmem>>, vector<16xi32>,
    %swap3A_318 = vector.shape_cast %swap3A_317 : vector<16xi32> to vector<16xi32>
    %swap3A_319 = vector.shape_cast %broadcast_in_dim3A_315 : vector<16xi32> to vector<16xi32>
    tpu.vector_store %arg5[%swap3A_316], %swap3A_319 {strides = array<i32>} : memref<128xi32, #tpu.memory_space<vmem>>, vector<16xi32>,
    %broadcast_in_dim3A_320 = arith.constant 10064 : i32
    %broadcast_in_dim3A_321 = vector.broadcast %broadcast_in_dim3A_320 : i32 to vector<16xi32>
    %swap3A_322 = arith.constant 64 : index
    %swap3A_323 = tpu.vector_load %arg5[%swap3A_322] {strides = array<i32>} : memref<128xi32, #tpu.memory_space<vmem>>, vector<16xi32>,
    %swap3A_324 = vector.shape_cast %swap3A_323 : vector<16xi32> to vector<16xi32>
    %swap3A_325 = vector.shape_cast %broadcast_in_dim3A_321 : vector<16xi32> to vector<16xi32>
    tpu.vector_store %arg5[%swap3A_322], %swap3A_325 {strides = array<i32>} : memref<128xi32, #tpu.memory_space<vmem>>, vector<16xi32>,
    %broadcast_in_dim3A_326 = arith.constant 10064 : i32
    %broadcast_in_dim3A_327 = vector.broadcast %broadcast_in_dim3A_326 : i32 to vector<16xi32>
    %swap3A_328 = arith.constant 80 : index
    %swap3A_329 = tpu.vector_load %arg5[%swap3A_328] {strides = array<i32>} : memref<128xi32, #tpu.memory_space<vmem>>, vector<16xi32>,
    %swap3A_330 = vector.shape_cast %swap3A_329 : vector<16xi32> to vector<16xi32>
    %swap3A_331 = vector.shape_cast %broadcast_in_dim3A_327 : vector<16xi32> to vector<16xi32>
    tpu.vector_store %arg5[%swap3A_328], %swap3A_331 {strides = array<i32>} : memref<128xi32, #tpu.memory_space<vmem>>, vector<16xi32>,
    %broadcast_in_dim3A_332 = arith.constant 10064 : i32
    %broadcast_in_dim3A_333 = vector.broadcast %broadcast_in_dim3A_332 : i32 to vector<16xi32>
    %swap3A_334 = arith.constant 96 : index
    %swap3A_335 = tpu.vector_load %arg5[%swap3A_334] {strides = array<i32>} : memref<128xi32, #tpu.memory_space<vmem>>, vector<16xi32>,
    %swap3A_336 = vector.shape_cast %swap3A_335 : vector<16xi32> to vector<16xi32>
    %swap3A_337 = vector.shape_cast %broadcast_in_dim3A_333 : vector<16xi32> to vector<16xi32>
    tpu.vector_store %arg5[%swap3A_334], %swap3A_337 {strides = array<i32>} : memref<128xi32, #tpu.memory_space<vmem>>, vector<16xi32>,
    %broadcast_in_dim3A_338 = arith.constant 10064 : i32
    %broadcast_in_dim3A_339 = vector.broadcast %broadcast_in_dim3A_338 : i32 to vector<16xi32>
    %swap3A_340 = arith.constant 112 : index
    %swap3A_341 = tpu.vector_load %arg5[%swap3A_340] {strides = array<i32>} : memref<128xi32, #tpu.memory_space<vmem>>, vector<16xi32>,
    %swap3A_342 = vector.shape_cast %swap3A_341 : vector<16xi32> to vector<16xi32>
    %swap3A_343 = vector.shape_cast %broadcast_in_dim3A_339 : vector<16xi32> to vector<16xi32>
    tpu.vector_store %arg5[%swap3A_340], %swap3A_343 {strides = array<i32>} : memref<128xi32, #tpu.memory_space<vmem>>, vector<16xi32>,
    %get3A = arith.constant 9984 : index
    %get3A_344 = tpu.vector_load %arg4[%get3A] {strides = array<i32>} : memref<10000xi32, #tpu.memory_space<vmem>>, vector<16xi32>,
    %get3A_345 = vector.shape_cast %get3A_344 : vector<16xi32> to vector<16xi32>
    %swap3A_346 = arith.constant 0 : index
    %swap3A_347 = tpu.vector_load %arg5[%swap3A_346] {strides = array<i32>} : memref<128xi32, #tpu.memory_space<vmem>>, vector<16xi32>,
    %swap3A_348 = vector.shape_cast %swap3A_347 : vector<16xi32> to vector<16xi32>
    %swap3A_349 = vector.shape_cast %get3A_345 : vector<16xi32> to vector<16xi32>
    tpu.vector_store %arg5[%swap3A_346], %swap3A_349 {strides = array<i32>} : memref<128xi32, #tpu.memory_space<vmem>>, vector<16xi32>,
    "tpu.region"() ({
      %run_scoped3A = tpu.sem_alloc : memref<!tpu.dma_semaphore, #tpu.memory_space<semaphore_mem>>
      %dma_start3A = arith.constant 0 : i32
      %dma_start3A_355 = tpu.memref_slice %arg8[%dma_start3A] : memref<10240xf32, #tpu.memory_space<vmem_shared>> -> memref<10240xf32, #tpu.memory_space<vmem_shared>>
      tpu.enqueue_indirect_dma source(%arg6 : memref<128xf32, #tpu.memory_space<vmem>>) target(%dma_start3A_355 : memref<10240xf32, #tpu.memory_space<vmem_shared>>) offsets(%arg5 : memref<128xi32, #tpu.memory_space<vmem>>) semaphore(%run_scoped3A : memref<!tpu.dma_semaphore, #tpu.memory_space<semaphore_mem>>) {add = true}
      %dma_wait3A = arith.constant 0 : i32
      %dma_wait3A_356 = tpu.memref_slice %arg8[%dma_wait3A] : memref<10240xf32, #tpu.memory_space<vmem_shared>> -> memref<10240xf32, #tpu.memory_space<vmem_shared>>
      tpu.wait_indirect_dma semaphore(%run_scoped3A : memref<!tpu.dma_semaphore, #tpu.memory_space<semaphore_mem>>) src(%arg6 : memref<128xf32, #tpu.memory_space<vmem>>) dst(%dma_wait3A_356 : memref<10240xf32, #tpu.memory_space<vmem_shared>>)
      tpu.yield
    }) : () -> ()
    %barrier3A_350 = arith.constant 0 : index
    tpu.barrier barrier_id(%barrier3A_350)
    %mul3A_351 = arith.constant 640 : i32
    %mul3A_352 = arith.muli %arg1, %mul3A_351 : i32
    %mul3A_353 = arith.constant 640 : i32
    %mul3A_354 = arith.muli %arg1, %mul3A_353 : i32
    "tpu.region"() ({
      %run_scoped3A = tpu.sem_alloc : memref<!tpu.dma_semaphore, #tpu.memory_space<semaphore_mem>>
      %dma_start3A = tpu.memref_slice %arg3[%arg0, %mul3A_354] : memref<2x10240xf32, #tpu.memory_space<hbm>> -> memref<1x640xf32, #tpu.memory_space<hbm>>
      %dma_start3A_355 = tpu.memref_squeeze %dma_start3A : memref<1x640xf32, #tpu.memory_space<hbm>> -> memref<640xf32, #tpu.memory_space<hbm>>
      %dma_start3A_356 = tpu.memref_slice %arg8[%mul3A_352] : memref<10240xf32, #tpu.memory_space<vmem_shared>> -> memref<640xf32, #tpu.memory_space<vmem_shared>>
      tpu.enqueue_dma source(%dma_start3A_356 : memref<640xf32, #tpu.memory_space<vmem_shared>>) target(%dma_start3A_355 : memref<640xf32, #tpu.memory_space<hbm>>) target_semaphore(%run_scoped3A : memref<!tpu.dma_semaphore, #tpu.memory_space<semaphore_mem>>)
      %dma_wait3A = tpu.memref_slice %arg3[%arg0, %mul3A_354] : memref<2x10240xf32, #tpu.memory_space<hbm>> -> memref<1x640xf32, #tpu.memory_space<hbm>>
      %dma_wait3A_357 = tpu.memref_squeeze %dma_wait3A : memref<1x640xf32, #tpu.memory_space<hbm>> -> memref<640xf32, #tpu.memory_space<hbm>>
      %dma_wait3A_358 = tpu.memref_slice %arg8[%mul3A_352] : memref<10240xf32, #tpu.memory_space<vmem_shared>> -> memref<640xf32, #tpu.memory_space<vmem_shared>>
      tpu.wait_dma2 semaphore(%run_scoped3A : memref<!tpu.dma_semaphore, #tpu.memory_space<semaphore_mem>>) src(%dma_wait3A_358 : memref<640xf32, #tpu.memory_space<vmem_shared>>) dst(%dma_wait3A_357 : memref<640xf32, #tpu.memory_space<hbm>>)
      tpu.yield
    }) : () -> ()
    return
  }
}

#map = affine_map<(d0, d1) -> (0, 0)>
#map1 = affine_map<(d0, d1) -> (0)>
#map2 = affine_map<(d0, d1) -> (0, 0, 0)>
module attributes {stable_mosaic.version = 14 : i64} {
  func.func @_agg_kernel(%arg0: i32, %arg1: i32, %arg2: memref<10000x128xf32, #tpu.memory_space<hbm>>, %arg3: memref<320000xi32, #tpu.memory_space<hbm>>, %arg4: memref<320000xi32, #tpu.memory_space<hbm>>, %arg5: memref<128x128xf32, #tpu.memory_space<hbm>>, %arg6: memref<2x10240x128xf32, #tpu.memory_space<hbm>>, %arg7: memref<128xi32, #tpu.memory_space<vmem>>, %arg8: memref<128xi32, #tpu.memory_space<vmem>>, %arg9: memref<128xi32, #tpu.memory_space<vmem>>, %arg10: memref<128xi32, #tpu.memory_space<vmem>>, %arg11: memref<128xi32, #tpu.memory_space<vmem>>, %arg12: memref<128xi32, #tpu.memory_space<vmem>>, %arg13: memref<128x128xf32, #tpu.memory_space<vmem>>, %arg14: memref<128x128xf32, #tpu.memory_space<vmem>>, %arg15: memref<10240x128xf32, #tpu.memory_space<vmem_shared>>, %arg16: memref<!tpu.dma_semaphore, #tpu.memory_space<semaphore_mem>>, %arg17: memref<!tpu.dma_semaphore, #tpu.memory_space<semaphore_mem>>, %arg18: memref<!tpu.dma_semaphore, #tpu.memory_space<semaphore_mem>>, %arg19: memref<!tpu.dma_semaphore, #tpu.memory_space<semaphore_mem>>, %arg20: memref<!tpu.dma_semaphore, #tpu.memory_space<semaphore_mem>>, %arg21: memref<!tpu.dma_semaphore, #tpu.memory_space<semaphore_mem>>) attributes {dimension_semantics = [#tpu.dimension_semantics<core_parallel>, #tpu.dimension_semantics<subcore_parallel>], iteration_bounds = array<i64: 2, 16>, scalar_prefetch = 0 : i64, scratch_operands = 15 : i64, tpu.core_type = #tpu.core_type<sc_vector_subcore>, window_params = [{transform_indices = #map}, {transform_indices = #map1}, {transform_indices = #map1}, {transform_indices = #map}, {transform_indices = #map2}]} {
    %lt3A = arith.constant 10 : i32
    %lt3A_0 = arith.cmpi slt, %arg1, %lt3A : i32
    %jit3A = arith.constant 121 : i32
    %jit3A_1 = arith.constant 119 : i32
    %select_n3A = arith.select %lt3A_0, %jit3A, %jit3A_1 : i32
    %min3A = arith.constant 10 : i32
    %min3A_2 = arith.minsi %arg1, %min3A : i32
    %mul3A = arith.constant 121 : i32
    %mul3A_3 = arith.muli %mul3A, %min3A_2 : i32
    %sub3A = arith.constant 10 : i32
    %sub3A_4 = arith.subi %arg1, %sub3A : i32
    %max3A = arith.constant 0 : i32
    %max3A_5 = arith.maxsi %sub3A_4, %max3A : i32
    %mul3A_6 = arith.constant 119 : i32
    %mul3A_7 = arith.muli %mul3A_6, %max3A_5 : i32
    %add3A = arith.addi %mul3A_3, %mul3A_7 : i32
    %lt3A_8 = arith.constant 8 : i32
    %lt3A_9 = arith.cmpi slt, %arg1, %lt3A_8 : i32
    %jit3A_10 = arith.constant 37 : i32
    %jit3A_11 = arith.constant 35 : i32
    %select_n3A_12 = arith.select %lt3A_9, %jit3A_10, %jit3A_11 : i32
    %min3A_13 = arith.constant 8 : i32
    %min3A_14 = arith.minsi %arg1, %min3A_13 : i32
    %mul3A_15 = arith.constant 37 : i32
    %mul3A_16 = arith.muli %mul3A_15, %min3A_14 : i32
    %add3A_17 = arith.constant 1924 : i32
    %add3A_18 = arith.addi %add3A_17, %mul3A_16 : i32
    %sub3A_19 = arith.constant 8 : i32
    %sub3A_20 = arith.subi %arg1, %sub3A_19 : i32
    %max3A_21 = arith.constant 0 : i32
    %max3A_22 = arith.maxsi %sub3A_20, %max3A_21 : i32
    %mul3A_23 = arith.constant 35 : i32
    %mul3A_24 = arith.muli %mul3A_23, %max3A_22 : i32
    %add3A_25 = arith.addi %add3A_18, %mul3A_24 : i32
    %eq3A = arith.constant 0 : i32
    %eq3A_26 = arith.cmpi eq, %arg0, %eq3A : i32
    %select_n3A_27 = arith.select %eq3A_26, %select_n3A, %select_n3A_12 : i32
    %eq3A_28 = arith.constant 0 : i32
    %eq3A_29 = arith.cmpi eq, %arg0, %eq3A_28 : i32
    %select_n3A_30 = arith.select %eq3A_29, %add3A, %add3A_25 : i32
    %mul3A_31 = arith.constant 128 : i32
    %mul3A_32 = arith.muli %select_n3A_30, %mul3A_31 : i32
    %mul3A_33 = arith.constant 640 : i32
    %mul3A_34 = arith.muli %arg1, %mul3A_33 : i32
    %add3A_35 = arith.constant 0 : i32
    %add3A_36 = arith.addi %mul3A_34, %add3A_35 : i32
    %dma_start3A = arith.constant 0 : i32
    %dma_start3A_37 = tpu.memref_slice %arg15[%add3A_36, %dma_start3A] : memref<10240x128xf32, #tpu.memory_space<vmem_shared>> -> memref<128x128xf32, #tpu.memory_space<vmem_shared>>
    %dma_start3A_38 = arith.constant 0 : i32
    %dma_start3A_39 = arith.constant 0 : i32
    %dma_start3A_40 = tpu.memref_slice %arg5[%dma_start3A_38, %dma_start3A_39] : memref<128x128xf32, #tpu.memory_space<hbm>> -> memref<128x128xf32, #tpu.memory_space<hbm>>
    tpu.enqueue_dma source(%dma_start3A_40 : memref<128x128xf32, #tpu.memory_space<hbm>>) target(%dma_start3A_37 : memref<128x128xf32, #tpu.memory_space<vmem_shared>>) target_semaphore(%arg16 : memref<!tpu.dma_semaphore, #tpu.memory_space<semaphore_mem>>)
    %add3A_41 = arith.constant 128 : i32
    %add3A_42 = arith.addi %mul3A_34, %add3A_41 : i32
    %dma_start3A_43 = arith.constant 0 : i32
    %dma_start3A_44 = tpu.memref_slice %arg15[%add3A_42, %dma_start3A_43] : memref<10240x128xf32, #tpu.memory_space<vmem_shared>> -> memref<128x128xf32, #tpu.memory_space<vmem_shared>>
    %dma_start3A_45 = arith.constant 0 : i32
    %dma_start3A_46 = arith.constant 0 : i32
    %dma_start3A_47 = tpu.memref_slice %arg5[%dma_start3A_45, %dma_start3A_46] : memref<128x128xf32, #tpu.memory_space<hbm>> -> memref<128x128xf32, #tpu.memory_space<hbm>>
    tpu.enqueue_dma source(%dma_start3A_47 : memref<128x128xf32, #tpu.memory_space<hbm>>) target(%dma_start3A_44 : memref<128x128xf32, #tpu.memory_space<vmem_shared>>) target_semaphore(%arg16 : memref<!tpu.dma_semaphore, #tpu.memory_space<semaphore_mem>>)
    %add3A_48 = arith.constant 256 : i32
    %add3A_49 = arith.addi %mul3A_34, %add3A_48 : i32
    %dma_start3A_50 = arith.constant 0 : i32
    %dma_start3A_51 = tpu.memref_slice %arg15[%add3A_49, %dma_start3A_50] : memref<10240x128xf32, #tpu.memory_space<vmem_shared>> -> memref<128x128xf32, #tpu.memory_space<vmem_shared>>
    %dma_start3A_52 = arith.constant 0 : i32
    %dma_start3A_53 = arith.constant 0 : i32
    %dma_start3A_54 = tpu.memref_slice %arg5[%dma_start3A_52, %dma_start3A_53] : memref<128x128xf32, #tpu.memory_space<hbm>> -> memref<128x128xf32, #tpu.memory_space<hbm>>
    tpu.enqueue_dma source(%dma_start3A_54 : memref<128x128xf32, #tpu.memory_space<hbm>>) target(%dma_start3A_51 : memref<128x128xf32, #tpu.memory_space<vmem_shared>>) target_semaphore(%arg16 : memref<!tpu.dma_semaphore, #tpu.memory_space<semaphore_mem>>)
    %add3A_55 = arith.constant 384 : i32
    %add3A_56 = arith.addi %mul3A_34, %add3A_55 : i32
    %dma_start3A_57 = arith.constant 0 : i32
    %dma_start3A_58 = tpu.memref_slice %arg15[%add3A_56, %dma_start3A_57] : memref<10240x128xf32, #tpu.memory_space<vmem_shared>> -> memref<128x128xf32, #tpu.memory_space<vmem_shared>>
    %dma_start3A_59 = arith.constant 0 : i32
    %dma_start3A_60 = arith.constant 0 : i32
    %dma_start3A_61 = tpu.memref_slice %arg5[%dma_start3A_59, %dma_start3A_60] : memref<128x128xf32, #tpu.memory_space<hbm>> -> memref<128x128xf32, #tpu.memory_space<hbm>>
    tpu.enqueue_dma source(%dma_start3A_61 : memref<128x128xf32, #tpu.memory_space<hbm>>) target(%dma_start3A_58 : memref<128x128xf32, #tpu.memory_space<vmem_shared>>) target_semaphore(%arg16 : memref<!tpu.dma_semaphore, #tpu.memory_space<semaphore_mem>>)
    %add3A_62 = arith.constant 512 : i32
    %add3A_63 = arith.addi %mul3A_34, %add3A_62 : i32
    %dma_start3A_64 = arith.constant 0 : i32
    %dma_start3A_65 = tpu.memref_slice %arg15[%add3A_63, %dma_start3A_64] : memref<10240x128xf32, #tpu.memory_space<vmem_shared>> -> memref<128x128xf32, #tpu.memory_space<vmem_shared>>
    %dma_start3A_66 = arith.constant 0 : i32
    %dma_start3A_67 = arith.constant 0 : i32
    %dma_start3A_68 = tpu.memref_slice %arg5[%dma_start3A_66, %dma_start3A_67] : memref<128x128xf32, #tpu.memory_space<hbm>> -> memref<128x128xf32, #tpu.memory_space<hbm>>
    tpu.enqueue_dma source(%dma_start3A_68 : memref<128x128xf32, #tpu.memory_space<hbm>>) target(%dma_start3A_65 : memref<128x128xf32, #tpu.memory_space<vmem_shared>>) target_semaphore(%arg16 : memref<!tpu.dma_semaphore, #tpu.memory_space<semaphore_mem>>)
    %add3A_69 = arith.constant 0 : i32
    %add3A_70 = arith.addi %mul3A_34, %add3A_69 : i32
    %dma_wait3A = arith.constant 0 : i32
    %dma_wait3A_71 = tpu.memref_slice %arg15[%add3A_70, %dma_wait3A] : memref<10240x128xf32, #tpu.memory_space<vmem_shared>> -> memref<128x128xf32, #tpu.memory_space<vmem_shared>>
    %dma_wait3A_72 = arith.constant 0 : i32
    %dma_wait3A_73 = arith.constant 0 : i32
    %dma_wait3A_74 = tpu.memref_slice %arg5[%dma_wait3A_72, %dma_wait3A_73] : memref<128x128xf32, #tpu.memory_space<hbm>> -> memref<128x128xf32, #tpu.memory_space<hbm>>
    tpu.wait_dma2 semaphore(%arg16 : memref<!tpu.dma_semaphore, #tpu.memory_space<semaphore_mem>>) src(%dma_wait3A_74 : memref<128x128xf32, #tpu.memory_space<hbm>>) dst(%dma_wait3A_71 : memref<128x128xf32, #tpu.memory_space<vmem_shared>>)
    %add3A_75 = arith.constant 128 : i32
    %add3A_76 = arith.addi %mul3A_34, %add3A_75 : i32
    %dma_wait3A_77 = arith.constant 0 : i32
    %dma_wait3A_78 = tpu.memref_slice %arg15[%add3A_76, %dma_wait3A_77] : memref<10240x128xf32, #tpu.memory_space<vmem_shared>> -> memref<128x128xf32, #tpu.memory_space<vmem_shared>>
    %dma_wait3A_79 = arith.constant 0 : i32
    %dma_wait3A_80 = arith.constant 0 : i32
    %dma_wait3A_81 = tpu.memref_slice %arg5[%dma_wait3A_79, %dma_wait3A_80] : memref<128x128xf32, #tpu.memory_space<hbm>> -> memref<128x128xf32, #tpu.memory_space<hbm>>
    tpu.wait_dma2 semaphore(%arg16 : memref<!tpu.dma_semaphore, #tpu.memory_space<semaphore_mem>>) src(%dma_wait3A_81 : memref<128x128xf32, #tpu.memory_space<hbm>>) dst(%dma_wait3A_78 : memref<128x128xf32, #tpu.memory_space<vmem_shared>>)
    %add3A_82 = arith.constant 256 : i32
    %add3A_83 = arith.addi %mul3A_34, %add3A_82 : i32
    %dma_wait3A_84 = arith.constant 0 : i32
    %dma_wait3A_85 = tpu.memref_slice %arg15[%add3A_83, %dma_wait3A_84] : memref<10240x128xf32, #tpu.memory_space<vmem_shared>> -> memref<128x128xf32, #tpu.memory_space<vmem_shared>>
    %dma_wait3A_86 = arith.constant 0 : i32
    %dma_wait3A_87 = arith.constant 0 : i32
    %dma_wait3A_88 = tpu.memref_slice %arg5[%dma_wait3A_86, %dma_wait3A_87] : memref<128x128xf32, #tpu.memory_space<hbm>> -> memref<128x128xf32, #tpu.memory_space<hbm>>
    tpu.wait_dma2 semaphore(%arg16 : memref<!tpu.dma_semaphore, #tpu.memory_space<semaphore_mem>>) src(%dma_wait3A_88 : memref<128x128xf32, #tpu.memory_space<hbm>>) dst(%dma_wait3A_85 : memref<128x128xf32, #tpu.memory_space<vmem_shared>>)
    %add3A_89 = arith.constant 384 : i32
    %add3A_90 = arith.addi %mul3A_34, %add3A_89 : i32
    %dma_wait3A_91 = arith.constant 0 : i32
    %dma_wait3A_92 = tpu.memref_slice %arg15[%add3A_90, %dma_wait3A_91] : memref<10240x128xf32, #tpu.memory_space<vmem_shared>> -> memref<128x128xf32, #tpu.memory_space<vmem_shared>>
    %dma_wait3A_93 = arith.constant 0 : i32
    %dma_wait3A_94 = arith.constant 0 : i32
    %dma_wait3A_95 = tpu.memref_slice %arg5[%dma_wait3A_93, %dma_wait3A_94] : memref<128x128xf32, #tpu.memory_space<hbm>> -> memref<128x128xf32, #tpu.memory_space<hbm>>
    tpu.wait_dma2 semaphore(%arg16 : memref<!tpu.dma_semaphore, #tpu.memory_space<semaphore_mem>>) src(%dma_wait3A_95 : memref<128x128xf32, #tpu.memory_space<hbm>>) dst(%dma_wait3A_92 : memref<128x128xf32, #tpu.memory_space<vmem_shared>>)
    %add3A_96 = arith.constant 512 : i32
    %add3A_97 = arith.addi %mul3A_34, %add3A_96 : i32
    %dma_wait3A_98 = arith.constant 0 : i32
    %dma_wait3A_99 = tpu.memref_slice %arg15[%add3A_97, %dma_wait3A_98] : memref<10240x128xf32, #tpu.memory_space<vmem_shared>> -> memref<128x128xf32, #tpu.memory_space<vmem_shared>>
    %dma_wait3A_100 = arith.constant 0 : i32
    %dma_wait3A_101 = arith.constant 0 : i32
    %dma_wait3A_102 = tpu.memref_slice %arg5[%dma_wait3A_100, %dma_wait3A_101] : memref<128x128xf32, #tpu.memory_space<hbm>> -> memref<128x128xf32, #tpu.memory_space<hbm>>
    tpu.wait_dma2 semaphore(%arg16 : memref<!tpu.dma_semaphore, #tpu.memory_space<semaphore_mem>>) src(%dma_wait3A_102 : memref<128x128xf32, #tpu.memory_space<hbm>>) dst(%dma_wait3A_99 : memref<128x128xf32, #tpu.memory_space<vmem_shared>>)
    %barrier3A = arith.constant 0 : index
    tpu.barrier barrier_id(%barrier3A)
    %add3A_103 = arith.constant 0 : i32
    %add3A_104 = arith.addi %mul3A_32, %add3A_103 : i32
    %multiple_of3A = tpu.assume_multiple %add3A_104, 128 : i32
    %dma_start3A_105 = tpu.memref_slice %arg3[%multiple_of3A] : memref<320000xi32, #tpu.memory_space<hbm>> -> memref<128xi32, #tpu.memory_space<hbm>>
    %dma_start3A_106 = tpu.memref_slice %arg3[%multiple_of3A] : memref<320000xi32, #tpu.memory_space<hbm>> -> memref<128xi32, #tpu.memory_space<hbm>>
    tpu.enqueue_dma source(%dma_start3A_106 : memref<128xi32, #tpu.memory_space<hbm>>) target(%arg7 : memref<128xi32, #tpu.memory_space<vmem>>) target_semaphore(%arg18 : memref<!tpu.dma_semaphore, #tpu.memory_space<semaphore_mem>>)
    %dma_start3A_107 = tpu.memref_slice %arg4[%multiple_of3A] : memref<320000xi32, #tpu.memory_space<hbm>> -> memref<128xi32, #tpu.memory_space<hbm>>
    %dma_start3A_108 = tpu.memref_slice %arg4[%multiple_of3A] : memref<320000xi32, #tpu.memory_space<hbm>> -> memref<128xi32, #tpu.memory_space<hbm>>
    tpu.enqueue_dma source(%dma_start3A_108 : memref<128xi32, #tpu.memory_space<hbm>>) target(%arg9 : memref<128xi32, #tpu.memory_space<vmem>>) target_semaphore(%arg18 : memref<!tpu.dma_semaphore, #tpu.memory_space<semaphore_mem>>)
    %add3A_109 = arith.constant 0 : i32
    %add3A_110 = arith.addi %mul3A_32, %add3A_109 : i32
    %multiple_of3A_111 = tpu.assume_multiple %add3A_110, 128 : i32
    %dma_wait3A_112 = tpu.memref_slice %arg3[%multiple_of3A_111] : memref<320000xi32, #tpu.memory_space<hbm>> -> memref<128xi32, #tpu.memory_space<hbm>>
    %dma_wait3A_113 = tpu.memref_slice %arg3[%multiple_of3A_111] : memref<320000xi32, #tpu.memory_space<hbm>> -> memref<128xi32, #tpu.memory_space<hbm>>
    tpu.wait_dma2 semaphore(%arg18 : memref<!tpu.dma_semaphore, #tpu.memory_space<semaphore_mem>>) src(%dma_wait3A_113 : memref<128xi32, #tpu.memory_space<hbm>>) dst(%arg7 : memref<128xi32, #tpu.memory_space<vmem>>)
    %dma_wait3A_114 = tpu.memref_slice %arg4[%multiple_of3A_111] : memref<320000xi32, #tpu.memory_space<hbm>> -> memref<128xi32, #tpu.memory_space<hbm>>
    %dma_wait3A_115 = tpu.memref_slice %arg4[%multiple_of3A_111] : memref<320000xi32, #tpu.memory_space<hbm>> -> memref<128xi32, #tpu.memory_space<hbm>>
    tpu.wait_dma2 semaphore(%arg18 : memref<!tpu.dma_semaphore, #tpu.memory_space<semaphore_mem>>) src(%dma_wait3A_115 : memref<128xi32, #tpu.memory_space<hbm>>) dst(%arg9 : memref<128xi32, #tpu.memory_space<vmem>>)
    %sub3A_116 = arith.constant 1 : i32
    %sub3A_117 = arith.subi %select_n3A_27, %sub3A_116 : i32
    %min3A_118 = arith.constant 1 : i32
    %min3A_119 = arith.minsi %min3A_118, %sub3A_117 : i32
    %mul3A_120 = arith.constant 128 : i32
    %mul3A_121 = arith.muli %min3A_119, %mul3A_120 : i32
    %add3A_122 = arith.addi %mul3A_32, %mul3A_121 : i32
    %multiple_of3A_123 = tpu.assume_multiple %add3A_122, 128 : i32
    %dma_start3A_124 = tpu.memref_slice %arg3[%multiple_of3A_123] : memref<320000xi32, #tpu.memory_space<hbm>> -> memref<128xi32, #tpu.memory_space<hbm>>
    %dma_start3A_125 = tpu.memref_slice %arg3[%multiple_of3A_123] : memref<320000xi32, #tpu.memory_space<hbm>> -> memref<128xi32, #tpu.memory_space<hbm>>
    tpu.enqueue_dma source(%dma_start3A_125 : memref<128xi32, #tpu.memory_space<hbm>>) target(%arg8 : memref<128xi32, #tpu.memory_space<vmem>>) target_semaphore(%arg19 : memref<!tpu.dma_semaphore, #tpu.memory_space<semaphore_mem>>)
    %dma_start3A_126 = tpu.memref_slice %arg4[%multiple_of3A_123] : memref<320000xi32, #tpu.memory_space<hbm>> -> memref<128xi32, #tpu.memory_space<hbm>>
    %dma_start3A_127 = tpu.memref_slice %arg4[%multiple_of3A_123] : memref<320000xi32, #tpu.memory_space<hbm>> -> memref<128xi32, #tpu.memory_space<hbm>>
    tpu.enqueue_dma source(%dma_start3A_127 : memref<128xi32, #tpu.memory_space<hbm>>) target(%arg10 : memref<128xi32, #tpu.memory_space<vmem>>) target_semaphore(%arg19 : memref<!tpu.dma_semaphore, #tpu.memory_space<semaphore_mem>>)
    %dma_start3A_128 = arith.constant 0 : i32
    %dma_start3A_129 = arith.constant 0 : i32
    %dma_start3A_130 = tpu.memref_slice %arg2[%dma_start3A_128, %dma_start3A_129] : memref<10000x128xf32, #tpu.memory_space<hbm>> -> memref<10000x128xf32, #tpu.memory_space<hbm>>
    tpu.enqueue_indirect_dma source(%dma_start3A_130 : memref<10000x128xf32, #tpu.memory_space<hbm>>) target(%arg13 : memref<128x128xf32, #tpu.memory_space<vmem>>) offsets(%arg7 : memref<128xi32, #tpu.memory_space<vmem>>) semaphore(%arg16 : memref<!tpu.dma_semaphore, #tpu.memory_space<semaphore_mem>>)
    %sub3A_131 = arith.constant 1 : i32
    %sub3A_132 = arith.subi %select_n3A_27, %sub3A_131 : i32
    %min3A_133 = arith.constant 1 : i32
    %min3A_134 = arith.minsi %min3A_133, %sub3A_132 : i32
    %mul3A_135 = arith.constant 128 : i32
    %mul3A_136 = arith.muli %min3A_134, %mul3A_135 : i32
    %add3A_137 = arith.addi %mul3A_32, %mul3A_136 : i32
    %multiple_of3A_138 = tpu.assume_multiple %add3A_137, 128 : i32
    %dma_wait3A_139 = tpu.memref_slice %arg3[%multiple_of3A_138] : memref<320000xi32, #tpu.memory_space<hbm>> -> memref<128xi32, #tpu.memory_space<hbm>>
    %dma_wait3A_140 = tpu.memref_slice %arg3[%multiple_of3A_138] : memref<320000xi32, #tpu.memory_space<hbm>> -> memref<128xi32, #tpu.memory_space<hbm>>
    tpu.wait_dma2 semaphore(%arg19 : memref<!tpu.dma_semaphore, #tpu.memory_space<semaphore_mem>>) src(%dma_wait3A_140 : memref<128xi32, #tpu.memory_space<hbm>>) dst(%arg8 : memref<128xi32, #tpu.memory_space<vmem>>)
    %dma_wait3A_141 = tpu.memref_slice %arg4[%multiple_of3A_138] : memref<320000xi32, #tpu.memory_space<hbm>> -> memref<128xi32, #tpu.memory_space<hbm>>
    %dma_wait3A_142 = tpu.memref_slice %arg4[%multiple_of3A_138] : memref<320000xi32, #tpu.memory_space<hbm>> -> memref<128xi32, #tpu.memory_space<hbm>>
    tpu.wait_dma2 semaphore(%arg19 : memref<!tpu.dma_semaphore, #tpu.memory_space<semaphore_mem>>) src(%dma_wait3A_142 : memref<128xi32, #tpu.memory_space<hbm>>) dst(%arg10 : memref<128xi32, #tpu.memory_space<vmem>>)
    %dma_wait3A_143 = arith.constant 0 : i32
    %dma_wait3A_144 = arith.constant 0 : i32
    %dma_wait3A_145 = tpu.memref_slice %arg2[%dma_wait3A_143, %dma_wait3A_144] : memref<10000x128xf32, #tpu.memory_space<hbm>> -> memref<10000x128xf32, #tpu.memory_space<hbm>>
    tpu.wait_indirect_dma semaphore(%arg16 : memref<!tpu.dma_semaphore, #tpu.memory_space<semaphore_mem>>) src(%dma_wait3A_145 : memref<10000x128xf32, #tpu.memory_space<hbm>>) dst(%arg13 : memref<128x128xf32, #tpu.memory_space<vmem>>)
    %dma_start3A_146 = arith.constant 0 : i32
    %dma_start3A_147 = arith.constant 0 : i32
    %dma_start3A_148 = tpu.memref_slice %arg2[%dma_start3A_146, %dma_start3A_147] : memref<10000x128xf32, #tpu.memory_space<hbm>> -> memref<10000x128xf32, #tpu.memory_space<hbm>>
    tpu.enqueue_indirect_dma source(%dma_start3A_148 : memref<10000x128xf32, #tpu.memory_space<hbm>>) target(%arg14 : memref<128x128xf32, #tpu.memory_space<vmem>>) offsets(%arg8 : memref<128xi32, #tpu.memory_space<vmem>>) semaphore(%arg17 : memref<!tpu.dma_semaphore, #tpu.memory_space<semaphore_mem>>)
    "tpu.region"() ({
      %run_scoped3A = tpu.sem_alloc : memref<!tpu.dma_semaphore, #tpu.memory_space<semaphore_mem>>
      %dma_start3A_205 = arith.constant 0 : i32
      %dma_start3A_206 = arith.constant 0 : i32
      %dma_start3A_207 = tpu.memref_slice %arg15[%dma_start3A_205, %dma_start3A_206] : memref<10240x128xf32, #tpu.memory_space<vmem_shared>> -> memref<10240x128xf32, #tpu.memory_space<vmem_shared>>
      tpu.enqueue_indirect_dma source(%arg13 : memref<128x128xf32, #tpu.memory_space<vmem>>) target(%dma_start3A_207 : memref<10240x128xf32, #tpu.memory_space<vmem_shared>>) offsets(%arg9 : memref<128xi32, #tpu.memory_space<vmem>>) semaphore(%run_scoped3A : memref<!tpu.dma_semaphore, #tpu.memory_space<semaphore_mem>>) {add = true}
      %dma_wait3A_208 = arith.constant 0 : i32
      %dma_wait3A_209 = arith.constant 0 : i32
      %dma_wait3A_210 = tpu.memref_slice %arg15[%dma_wait3A_208, %dma_wait3A_209] : memref<10240x128xf32, #tpu.memory_space<vmem_shared>> -> memref<10240x128xf32, #tpu.memory_space<vmem_shared>>
      tpu.wait_indirect_dma semaphore(%run_scoped3A : memref<!tpu.dma_semaphore, #tpu.memory_space<semaphore_mem>>) src(%arg13 : memref<128x128xf32, #tpu.memory_space<vmem>>) dst(%dma_wait3A_210 : memref<10240x128xf32, #tpu.memory_space<vmem_shared>>)
      tpu.yield
    }) : () -> ()
    %sub3A_149 = arith.constant 1 : i32
    %sub3A_150 = arith.subi %select_n3A_27, %sub3A_149 : i32
    %min3A_151 = arith.constant 2 : i32
    %min3A_152 = arith.minsi %min3A_151, %sub3A_150 : i32
    %mul3A_153 = arith.constant 128 : i32
    %mul3A_154 = arith.muli %min3A_152, %mul3A_153 : i32
    %add3A_155 = arith.addi %mul3A_32, %mul3A_154 : i32
    %multiple_of3A_156 = tpu.assume_multiple %add3A_155, 128 : i32
    %dma_start3A_157 = tpu.memref_slice %arg3[%multiple_of3A_156] : memref<320000xi32, #tpu.memory_space<hbm>> -> memref<128xi32, #tpu.memory_space<hbm>>
    %dma_start3A_158 = tpu.memref_slice %arg3[%multiple_of3A_156] : memref<320000xi32, #tpu.memory_space<hbm>> -> memref<128xi32, #tpu.memory_space<hbm>>
    tpu.enqueue_dma source(%dma_start3A_158 : memref<128xi32, #tpu.memory_space<hbm>>) target(%arg7 : memref<128xi32, #tpu.memory_space<vmem>>) target_semaphore(%arg18 : memref<!tpu.dma_semaphore, #tpu.memory_space<semaphore_mem>>)
    %dma_start3A_159 = tpu.memref_slice %arg4[%multiple_of3A_156] : memref<320000xi32, #tpu.memory_space<hbm>> -> memref<128xi32, #tpu.memory_space<hbm>>
    %dma_start3A_160 = tpu.memref_slice %arg4[%multiple_of3A_156] : memref<320000xi32, #tpu.memory_space<hbm>> -> memref<128xi32, #tpu.memory_space<hbm>>
    tpu.enqueue_dma source(%dma_start3A_160 : memref<128xi32, #tpu.memory_space<hbm>>) target(%arg9 : memref<128xi32, #tpu.memory_space<vmem>>) target_semaphore(%arg18 : memref<!tpu.dma_semaphore, #tpu.memory_space<semaphore_mem>>)
    %sub3A_161 = arith.constant 1 : i32
    %sub3A_162 = arith.subi %select_n3A_27, %sub3A_161 : i32
    %jit3A_163 = arith.constant 2 : i32
    %div3A = arith.divsi %sub3A_162, %jit3A_163 : i32
    %sign3A = arith.constant 0 : i32
    %sign3A_164 = arith.cmpi sgt, %sub3A_162, %sign3A : i32
    %sign3A_165 = arith.extui %sign3A_164 : i1 to i32
    %sign3A_166 = arith.constant 0 : i32
    %sign3A_167 = arith.cmpi slt, %sub3A_162, %sign3A_166 : i32
    %sign3A_168 = arith.extui %sign3A_167 : i1 to i32
    %sign3A_169 = arith.subi %sign3A_165, %sign3A_168 : i32
    %sign3A_170 = arith.constant 0 : i32
    %sign3A_171 = arith.cmpi sgt, %jit3A_163, %sign3A_170 : i32
    %sign3A_172 = arith.extui %sign3A_171 : i1 to i32
    %sign3A_173 = arith.constant 0 : i32
    %sign3A_174 = arith.cmpi slt, %jit3A_163, %sign3A_173 : i32
    %sign3A_175 = arith.extui %sign3A_174 : i1 to i32
    %sign3A_176 = arith.subi %sign3A_172, %sign3A_175 : i32
    %ne3A = arith.cmpi ne, %sign3A_169, %sign3A_176 : i32
    %rem3A = arith.remsi %sub3A_162, %jit3A_163 : i32
    %ne3A_177 = arith.constant 0 : i32
    %ne3A_178 = arith.cmpi ne, %rem3A, %ne3A_177 : i32
    %and3A = arith.andi %ne3A, %ne3A_178 : i1
    %sub3A_179 = arith.constant 1 : i32
    %sub3A_180 = arith.subi %div3A, %sub3A_179 : i32
    %select_n3A_181 = arith.select %and3A, %sub3A_180, %div3A : i32
    %while3A = arith.constant 0 : i32
    %while3A_182 = arith.constant 0 : i32
    %while3A_183 = arith.subi %select_n3A_181, %while3A_182 : i32
    %while3A_184 = arith.addi %while3A_182, %while3A_183 : i32
    %while3A_185 = arith.constant 1 : i32
    %while3A_186 = arith.divsi %while3A_183, %while3A_185 : i32
    %while3A_187 = arith.muli %while3A_186, %while3A_185 : i32
    %while3A_188 = arith.addi %while3A_182, %while3A_187 : i32
    %while3A_189 = arith.constant 1 : i32
    scf.for %while3A_205 = %while3A_182 to %while3A_188 step %while3A_189  : i32 {
      %mul3A_206 = arith.constant 2 : i32
      %mul3A_207 = arith.muli %mul3A_206, %while3A_205 : i32
      %add3A_208 = arith.constant 1 : i32
      %add3A_209 = arith.addi %mul3A_207, %add3A_208 : i32
      %add3A_210 = arith.constant 1 : i32
      %add3A_211 = arith.addi %add3A_209, %add3A_210 : i32
      %sub3A_212 = arith.constant 1 : i32
      %sub3A_213 = arith.subi %select_n3A_27, %sub3A_212 : i32
      %min3A_214 = arith.minsi %add3A_211, %sub3A_213 : i32
      %mul3A_215 = arith.constant 128 : i32
      %mul3A_216 = arith.muli %min3A_214, %mul3A_215 : i32
      %add3A_217 = arith.addi %mul3A_32, %mul3A_216 : i32
      %multiple_of3A_218 = tpu.assume_multiple %add3A_217, 128 : i32
      %dma_wait3A_219 = tpu.memref_slice %arg3[%multiple_of3A_218] : memref<320000xi32, #tpu.memory_space<hbm>> -> memref<128xi32, #tpu.memory_space<hbm>>
      %dma_wait3A_220 = tpu.memref_slice %arg3[%multiple_of3A_218] : memref<320000xi32, #tpu.memory_space<hbm>> -> memref<128xi32, #tpu.memory_space<hbm>>
      tpu.wait_dma2 semaphore(%arg18 : memref<!tpu.dma_semaphore, #tpu.memory_space<semaphore_mem>>) src(%dma_wait3A_220 : memref<128xi32, #tpu.memory_space<hbm>>) dst(%arg7 : memref<128xi32, #tpu.memory_space<vmem>>)
      %dma_wait3A_221 = tpu.memref_slice %arg4[%multiple_of3A_218] : memref<320000xi32, #tpu.memory_space<hbm>> -> memref<128xi32, #tpu.memory_space<hbm>>
      %dma_wait3A_222 = tpu.memref_slice %arg4[%multiple_of3A_218] : memref<320000xi32, #tpu.memory_space<hbm>> -> memref<128xi32, #tpu.memory_space<hbm>>
      tpu.wait_dma2 semaphore(%arg18 : memref<!tpu.dma_semaphore, #tpu.memory_space<semaphore_mem>>) src(%dma_wait3A_222 : memref<128xi32, #tpu.memory_space<hbm>>) dst(%arg9 : memref<128xi32, #tpu.memory_space<vmem>>)
      %dma_wait3A_223 = arith.constant 0 : i32
      %dma_wait3A_224 = arith.constant 0 : i32
      %dma_wait3A_225 = tpu.memref_slice %arg2[%dma_wait3A_223, %dma_wait3A_224] : memref<10000x128xf32, #tpu.memory_space<hbm>> -> memref<10000x128xf32, #tpu.memory_space<hbm>>
      tpu.wait_indirect_dma semaphore(%arg17 : memref<!tpu.dma_semaphore, #tpu.memory_space<semaphore_mem>>) src(%dma_wait3A_225 : memref<10000x128xf32, #tpu.memory_space<hbm>>) dst(%arg14 : memref<128x128xf32, #tpu.memory_space<vmem>>)
      %dma_start3A_226 = arith.constant 0 : i32
      %dma_start3A_227 = arith.constant 0 : i32
      %dma_start3A_228 = tpu.memref_slice %arg2[%dma_start3A_226, %dma_start3A_227] : memref<10000x128xf32, #tpu.memory_space<hbm>> -> memref<10000x128xf32, #tpu.memory_space<hbm>>
      tpu.enqueue_indirect_dma source(%dma_start3A_228 : memref<10000x128xf32, #tpu.memory_space<hbm>>) target(%arg13 : memref<128x128xf32, #tpu.memory_space<vmem>>) offsets(%arg7 : memref<128xi32, #tpu.memory_space<vmem>>) semaphore(%arg16 : memref<!tpu.dma_semaphore, #tpu.memory_space<semaphore_mem>>)
      "tpu.region"() ({
        %run_scoped3A = tpu.sem_alloc : memref<!tpu.dma_semaphore, #tpu.memory_space<semaphore_mem>>
        %dma_start3A_276 = arith.constant 0 : i32
        %dma_start3A_277 = arith.constant 0 : i32
        %dma_start3A_278 = tpu.memref_slice %arg15[%dma_start3A_276, %dma_start3A_277] : memref<10240x128xf32, #tpu.memory_space<vmem_shared>> -> memref<10240x128xf32, #tpu.memory_space<vmem_shared>>
        tpu.enqueue_indirect_dma source(%arg14 : memref<128x128xf32, #tpu.memory_space<vmem>>) target(%dma_start3A_278 : memref<10240x128xf32, #tpu.memory_space<vmem_shared>>) offsets(%arg10 : memref<128xi32, #tpu.memory_space<vmem>>) semaphore(%run_scoped3A : memref<!tpu.dma_semaphore, #tpu.memory_space<semaphore_mem>>) {add = true}
        %dma_wait3A_279 = arith.constant 0 : i32
        %dma_wait3A_280 = arith.constant 0 : i32
        %dma_wait3A_281 = tpu.memref_slice %arg15[%dma_wait3A_279, %dma_wait3A_280] : memref<10240x128xf32, #tpu.memory_space<vmem_shared>> -> memref<10240x128xf32, #tpu.memory_space<vmem_shared>>
        tpu.wait_indirect_dma semaphore(%run_scoped3A : memref<!tpu.dma_semaphore, #tpu.memory_space<semaphore_mem>>) src(%arg14 : memref<128x128xf32, #tpu.memory_space<vmem>>) dst(%dma_wait3A_281 : memref<10240x128xf32, #tpu.memory_space<vmem_shared>>)
        tpu.yield
      }) : () -> ()
      %add3A_229 = arith.constant 2 : i32
      %add3A_230 = arith.addi %add3A_209, %add3A_229 : i32
      %sub3A_231 = arith.constant 1 : i32
      %sub3A_232 = arith.subi %select_n3A_27, %sub3A_231 : i32
      %min3A_233 = arith.minsi %add3A_230, %sub3A_232 : i32
      %mul3A_234 = arith.constant 128 : i32
      %mul3A_235 = arith.muli %min3A_233, %mul3A_234 : i32
      %add3A_236 = arith.addi %mul3A_32, %mul3A_235 : i32
      %multiple_of3A_237 = tpu.assume_multiple %add3A_236, 128 : i32
      %dma_start3A_238 = tpu.memref_slice %arg3[%multiple_of3A_237] : memref<320000xi32, #tpu.memory_space<hbm>> -> memref<128xi32, #tpu.memory_space<hbm>>
      %dma_start3A_239 = tpu.memref_slice %arg3[%multiple_of3A_237] : memref<320000xi32, #tpu.memory_space<hbm>> -> memref<128xi32, #tpu.memory_space<hbm>>
      tpu.enqueue_dma source(%dma_start3A_239 : memref<128xi32, #tpu.memory_space<hbm>>) target(%arg8 : memref<128xi32, #tpu.memory_space<vmem>>) target_semaphore(%arg19 : memref<!tpu.dma_semaphore, #tpu.memory_space<semaphore_mem>>)
      %dma_start3A_240 = tpu.memref_slice %arg4[%multiple_of3A_237] : memref<320000xi32, #tpu.memory_space<hbm>> -> memref<128xi32, #tpu.memory_space<hbm>>
      %dma_start3A_241 = tpu.memref_slice %arg4[%multiple_of3A_237] : memref<320000xi32, #tpu.memory_space<hbm>> -> memref<128xi32, #tpu.memory_space<hbm>>
      tpu.enqueue_dma source(%dma_start3A_241 : memref<128xi32, #tpu.memory_space<hbm>>) target(%arg10 : memref<128xi32, #tpu.memory_space<vmem>>) target_semaphore(%arg19 : memref<!tpu.dma_semaphore, #tpu.memory_space<semaphore_mem>>)
      %add3A_242 = arith.constant 1 : i32
      %add3A_243 = arith.addi %add3A_209, %add3A_242 : i32
      %add3A_244 = arith.constant 1 : i32
      %add3A_245 = arith.addi %add3A_243, %add3A_244 : i32
      %sub3A_246 = arith.constant 1 : i32
      %sub3A_247 = arith.subi %select_n3A_27, %sub3A_246 : i32
      %min3A_248 = arith.minsi %add3A_245, %sub3A_247 : i32
      %mul3A_249 = arith.constant 128 : i32
      %mul3A_250 = arith.muli %min3A_248, %mul3A_249 : i32
      %add3A_251 = arith.addi %mul3A_32, %mul3A_250 : i32
      %multiple_of3A_252 = tpu.assume_multiple %add3A_251, 128 : i32
      %dma_wait3A_253 = tpu.memref_slice %arg3[%multiple_of3A_252] : memref<320000xi32, #tpu.memory_space<hbm>> -> memref<128xi32, #tpu.memory_space<hbm>>
      %dma_wait3A_254 = tpu.memref_slice %arg3[%multiple_of3A_252] : memref<320000xi32, #tpu.memory_space<hbm>> -> memref<128xi32, #tpu.memory_space<hbm>>
      tpu.wait_dma2 semaphore(%arg19 : memref<!tpu.dma_semaphore, #tpu.memory_space<semaphore_mem>>) src(%dma_wait3A_254 : memref<128xi32, #tpu.memory_space<hbm>>) dst(%arg8 : memref<128xi32, #tpu.memory_space<vmem>>)
      %dma_wait3A_255 = tpu.memref_slice %arg4[%multiple_of3A_252] : memref<320000xi32, #tpu.memory_space<hbm>> -> memref<128xi32, #tpu.memory_space<hbm>>
      %dma_wait3A_256 = tpu.memref_slice %arg4[%multiple_of3A_252] : memref<320000xi32, #tpu.memory_space<hbm>> -> memref<128xi32, #tpu.memory_space<hbm>>
      tpu.wait_dma2 semaphore(%arg19 : memref<!tpu.dma_semaphore, #tpu.memory_space<semaphore_mem>>) src(%dma_wait3A_256 : memref<128xi32, #tpu.memory_space<hbm>>) dst(%arg10 : memref<128xi32, #tpu.memory_space<vmem>>)
      %dma_wait3A_257 = arith.constant 0 : i32
      %dma_wait3A_258 = arith.constant 0 : i32
      %dma_wait3A_259 = tpu.memref_slice %arg2[%dma_wait3A_257, %dma_wait3A_258] : memref<10000x128xf32, #tpu.memory_space<hbm>> -> memref<10000x128xf32, #tpu.memory_space<hbm>>
      tpu.wait_indirect_dma semaphore(%arg16 : memref<!tpu.dma_semaphore, #tpu.memory_space<semaphore_mem>>) src(%dma_wait3A_259 : memref<10000x128xf32, #tpu.memory_space<hbm>>) dst(%arg13 : memref<128x128xf32, #tpu.memory_space<vmem>>)
      %dma_start3A_260 = arith.constant 0 : i32
      %dma_start3A_261 = arith.constant 0 : i32
      %dma_start3A_262 = tpu.memref_slice %arg2[%dma_start3A_260, %dma_start3A_261] : memref<10000x128xf32, #tpu.memory_space<hbm>> -> memref<10000x128xf32, #tpu.memory_space<hbm>>
      tpu.enqueue_indirect_dma source(%dma_start3A_262 : memref<10000x128xf32, #tpu.memory_space<hbm>>) target(%arg14 : memref<128x128xf32, #tpu.memory_space<vmem>>) offsets(%arg8 : memref<128xi32, #tpu.memory_space<vmem>>) semaphore(%arg17 : memref<!tpu.dma_semaphore, #tpu.memory_space<semaphore_mem>>)
      "tpu.region"() ({
        %run_scoped3A = tpu.sem_alloc : memref<!tpu.dma_semaphore, #tpu.memory_space<semaphore_mem>>
        %dma_start3A_276 = arith.constant 0 : i32
        %dma_start3A_277 = arith.constant 0 : i32
        %dma_start3A_278 = tpu.memref_slice %arg15[%dma_start3A_276, %dma_start3A_277] : memref<10240x128xf32, #tpu.memory_space<vmem_shared>> -> memref<10240x128xf32, #tpu.memory_space<vmem_shared>>
        tpu.enqueue_indirect_dma source(%arg13 : memref<128x128xf32, #tpu.memory_space<vmem>>) target(%dma_start3A_278 : memref<10240x128xf32, #tpu.memory_space<vmem_shared>>) offsets(%arg9 : memref<128xi32, #tpu.memory_space<vmem>>) semaphore(%run_scoped3A : memref<!tpu.dma_semaphore, #tpu.memory_space<semaphore_mem>>) {add = true}
        %dma_wait3A_279 = arith.constant 0 : i32
        %dma_wait3A_280 = arith.constant 0 : i32
        %dma_wait3A_281 = tpu.memref_slice %arg15[%dma_wait3A_279, %dma_wait3A_280] : memref<10240x128xf32, #tpu.memory_space<vmem_shared>> -> memref<10240x128xf32, #tpu.memory_space<vmem_shared>>
        tpu.wait_indirect_dma semaphore(%run_scoped3A : memref<!tpu.dma_semaphore, #tpu.memory_space<semaphore_mem>>) src(%arg13 : memref<128x128xf32, #tpu.memory_space<vmem>>) dst(%dma_wait3A_281 : memref<10240x128xf32, #tpu.memory_space<vmem_shared>>)
        tpu.yield
      }) : () -> ()
      %add3A_263 = arith.constant 2 : i32
      %add3A_264 = arith.addi %add3A_243, %add3A_263 : i32
      %sub3A_265 = arith.constant 1 : i32
      %sub3A_266 = arith.subi %select_n3A_27, %sub3A_265 : i32
      %min3A_267 = arith.minsi %add3A_264, %sub3A_266 : i32
      %mul3A_268 = arith.constant 128 : i32
      %mul3A_269 = arith.muli %min3A_267, %mul3A_268 : i32
      %add3A_270 = arith.addi %mul3A_32, %mul3A_269 : i32
      %multiple_of3A_271 = tpu.assume_multiple %add3A_270, 128 : i32
      %dma_start3A_272 = tpu.memref_slice %arg3[%multiple_of3A_271] : memref<320000xi32, #tpu.memory_space<hbm>> -> memref<128xi32, #tpu.memory_space<hbm>>
      %dma_start3A_273 = tpu.memref_slice %arg3[%multiple_of3A_271] : memref<320000xi32, #tpu.memory_space<hbm>> -> memref<128xi32, #tpu.memory_space<hbm>>
      tpu.enqueue_dma source(%dma_start3A_273 : memref<128xi32, #tpu.memory_space<hbm>>) target(%arg7 : memref<128xi32, #tpu.memory_space<vmem>>) target_semaphore(%arg18 : memref<!tpu.dma_semaphore, #tpu.memory_space<semaphore_mem>>)
      %dma_start3A_274 = tpu.memref_slice %arg4[%multiple_of3A_271] : memref<320000xi32, #tpu.memory_space<hbm>> -> memref<128xi32, #tpu.memory_space<hbm>>
      %dma_start3A_275 = tpu.memref_slice %arg4[%multiple_of3A_271] : memref<320000xi32, #tpu.memory_space<hbm>> -> memref<128xi32, #tpu.memory_space<hbm>>
      tpu.enqueue_dma source(%dma_start3A_275 : memref<128xi32, #tpu.memory_space<hbm>>) target(%arg9 : memref<128xi32, #tpu.memory_space<vmem>>) target_semaphore(%arg18 : memref<!tpu.dma_semaphore, #tpu.memory_space<semaphore_mem>>)
    }
    %while3A_190 = arith.constant 1 : i32
    scf.for %while3A_205 = %while3A_188 to %while3A_184 step %while3A_190  : i32 {
      %mul3A_206 = arith.constant 2 : i32
      %mul3A_207 = arith.muli %mul3A_206, %while3A_205 : i32
      %add3A_208 = arith.constant 1 : i32
      %add3A_209 = arith.addi %mul3A_207, %add3A_208 : i32
      %add3A_210 = arith.constant 1 : i32
      %add3A_211 = arith.addi %add3A_209, %add3A_210 : i32
      %sub3A_212 = arith.constant 1 : i32
      %sub3A_213 = arith.subi %select_n3A_27, %sub3A_212 : i32
      %min3A_214 = arith.minsi %add3A_211, %sub3A_213 : i32
      %mul3A_215 = arith.constant 128 : i32
      %mul3A_216 = arith.muli %min3A_214, %mul3A_215 : i32
      %add3A_217 = arith.addi %mul3A_32, %mul3A_216 : i32
      %multiple_of3A_218 = tpu.assume_multiple %add3A_217, 128 : i32
      %dma_wait3A_219 = tpu.memref_slice %arg3[%multiple_of3A_218] : memref<320000xi32, #tpu.memory_space<hbm>> -> memref<128xi32, #tpu.memory_space<hbm>>
      %dma_wait3A_220 = tpu.memref_slice %arg3[%multiple_of3A_218] : memref<320000xi32, #tpu.memory_space<hbm>> -> memref<128xi32, #tpu.memory_space<hbm>>
      tpu.wait_dma2 semaphore(%arg18 : memref<!tpu.dma_semaphore, #tpu.memory_space<semaphore_mem>>) src(%dma_wait3A_220 : memref<128xi32, #tpu.memory_space<hbm>>) dst(%arg7 : memref<128xi32, #tpu.memory_space<vmem>>)
      %dma_wait3A_221 = tpu.memref_slice %arg4[%multiple_of3A_218] : memref<320000xi32, #tpu.memory_space<hbm>> -> memref<128xi32, #tpu.memory_space<hbm>>
      %dma_wait3A_222 = tpu.memref_slice %arg4[%multiple_of3A_218] : memref<320000xi32, #tpu.memory_space<hbm>> -> memref<128xi32, #tpu.memory_space<hbm>>
      tpu.wait_dma2 semaphore(%arg18 : memref<!tpu.dma_semaphore, #tpu.memory_space<semaphore_mem>>) src(%dma_wait3A_222 : memref<128xi32, #tpu.memory_space<hbm>>) dst(%arg9 : memref<128xi32, #tpu.memory_space<vmem>>)
      %dma_wait3A_223 = arith.constant 0 : i32
      %dma_wait3A_224 = arith.constant 0 : i32
      %dma_wait3A_225 = tpu.memref_slice %arg2[%dma_wait3A_223, %dma_wait3A_224] : memref<10000x128xf32, #tpu.memory_space<hbm>> -> memref<10000x128xf32, #tpu.memory_space<hbm>>
      tpu.wait_indirect_dma semaphore(%arg17 : memref<!tpu.dma_semaphore, #tpu.memory_space<semaphore_mem>>) src(%dma_wait3A_225 : memref<10000x128xf32, #tpu.memory_space<hbm>>) dst(%arg14 : memref<128x128xf32, #tpu.memory_space<vmem>>)
      %dma_start3A_226 = arith.constant 0 : i32
      %dma_start3A_227 = arith.constant 0 : i32
      %dma_start3A_228 = tpu.memref_slice %arg2[%dma_start3A_226, %dma_start3A_227] : memref<10000x128xf32, #tpu.memory_space<hbm>> -> memref<10000x128xf32, #tpu.memory_space<hbm>>
      tpu.enqueue_indirect_dma source(%dma_start3A_228 : memref<10000x128xf32, #tpu.memory_space<hbm>>) target(%arg13 : memref<128x128xf32, #tpu.memory_space<vmem>>) offsets(%arg7 : memref<128xi32, #tpu.memory_space<vmem>>) semaphore(%arg16 : memref<!tpu.dma_semaphore, #tpu.memory_space<semaphore_mem>>)
      "tpu.region"() ({
        %run_scoped3A = tpu.sem_alloc : memref<!tpu.dma_semaphore, #tpu.memory_space<semaphore_mem>>
        %dma_start3A_276 = arith.constant 0 : i32
        %dma_start3A_277 = arith.constant 0 : i32
        %dma_start3A_278 = tpu.memref_slice %arg15[%dma_start3A_276, %dma_start3A_277] : memref<10240x128xf32, #tpu.memory_space<vmem_shared>> -> memref<10240x128xf32, #tpu.memory_space<vmem_shared>>
        tpu.enqueue_indirect_dma source(%arg14 : memref<128x128xf32, #tpu.memory_space<vmem>>) target(%dma_start3A_278 : memref<10240x128xf32, #tpu.memory_space<vmem_shared>>) offsets(%arg10 : memref<128xi32, #tpu.memory_space<vmem>>) semaphore(%run_scoped3A : memref<!tpu.dma_semaphore, #tpu.memory_space<semaphore_mem>>) {add = true}
        %dma_wait3A_279 = arith.constant 0 : i32
        %dma_wait3A_280 = arith.constant 0 : i32
        %dma_wait3A_281 = tpu.memref_slice %arg15[%dma_wait3A_279, %dma_wait3A_280] : memref<10240x128xf32, #tpu.memory_space<vmem_shared>> -> memref<10240x128xf32, #tpu.memory_space<vmem_shared>>
        tpu.wait_indirect_dma semaphore(%run_scoped3A : memref<!tpu.dma_semaphore, #tpu.memory_space<semaphore_mem>>) src(%arg14 : memref<128x128xf32, #tpu.memory_space<vmem>>) dst(%dma_wait3A_281 : memref<10240x128xf32, #tpu.memory_space<vmem_shared>>)
        tpu.yield
      }) : () -> ()
      %add3A_229 = arith.constant 2 : i32
      %add3A_230 = arith.addi %add3A_209, %add3A_229 : i32
      %sub3A_231 = arith.constant 1 : i32
      %sub3A_232 = arith.subi %select_n3A_27, %sub3A_231 : i32
      %min3A_233 = arith.minsi %add3A_230, %sub3A_232 : i32
      %mul3A_234 = arith.constant 128 : i32
      %mul3A_235 = arith.muli %min3A_233, %mul3A_234 : i32
      %add3A_236 = arith.addi %mul3A_32, %mul3A_235 : i32
      %multiple_of3A_237 = tpu.assume_multiple %add3A_236, 128 : i32
      %dma_start3A_238 = tpu.memref_slice %arg3[%multiple_of3A_237] : memref<320000xi32, #tpu.memory_space<hbm>> -> memref<128xi32, #tpu.memory_space<hbm>>
      %dma_start3A_239 = tpu.memref_slice %arg3[%multiple_of3A_237] : memref<320000xi32, #tpu.memory_space<hbm>> -> memref<128xi32, #tpu.memory_space<hbm>>
      tpu.enqueue_dma source(%dma_start3A_239 : memref<128xi32, #tpu.memory_space<hbm>>) target(%arg8 : memref<128xi32, #tpu.memory_space<vmem>>) target_semaphore(%arg19 : memref<!tpu.dma_semaphore, #tpu.memory_space<semaphore_mem>>)
      %dma_start3A_240 = tpu.memref_slice %arg4[%multiple_of3A_237] : memref<320000xi32, #tpu.memory_space<hbm>> -> memref<128xi32, #tpu.memory_space<hbm>>
      %dma_start3A_241 = tpu.memref_slice %arg4[%multiple_of3A_237] : memref<320000xi32, #tpu.memory_space<hbm>> -> memref<128xi32, #tpu.memory_space<hbm>>
      tpu.enqueue_dma source(%dma_start3A_241 : memref<128xi32, #tpu.memory_space<hbm>>) target(%arg10 : memref<128xi32, #tpu.memory_space<vmem>>) target_semaphore(%arg19 : memref<!tpu.dma_semaphore, #tpu.memory_space<semaphore_mem>>)
      %add3A_242 = arith.constant 1 : i32
      %add3A_243 = arith.addi %add3A_209, %add3A_242 : i32
      %add3A_244 = arith.constant 1 : i32
      %add3A_245 = arith.addi %add3A_243, %add3A_244 : i32
      %sub3A_246 = arith.constant 1 : i32
      %sub3A_247 = arith.subi %select_n3A_27, %sub3A_246 : i32
      %min3A_248 = arith.minsi %add3A_245, %sub3A_247 : i32
      %mul3A_249 = arith.constant 128 : i32
      %mul3A_250 = arith.muli %min3A_248, %mul3A_249 : i32
      %add3A_251 = arith.addi %mul3A_32, %mul3A_250 : i32
      %multiple_of3A_252 = tpu.assume_multiple %add3A_251, 128 : i32
      %dma_wait3A_253 = tpu.memref_slice %arg3[%multiple_of3A_252] : memref<320000xi32, #tpu.memory_space<hbm>> -> memref<128xi32, #tpu.memory_space<hbm>>
      %dma_wait3A_254 = tpu.memref_slice %arg3[%multiple_of3A_252] : memref<320000xi32, #tpu.memory_space<hbm>> -> memref<128xi32, #tpu.memory_space<hbm>>
      tpu.wait_dma2 semaphore(%arg19 : memref<!tpu.dma_semaphore, #tpu.memory_space<semaphore_mem>>) src(%dma_wait3A_254 : memref<128xi32, #tpu.memory_space<hbm>>) dst(%arg8 : memref<128xi32, #tpu.memory_space<vmem>>)
      %dma_wait3A_255 = tpu.memref_slice %arg4[%multiple_of3A_252] : memref<320000xi32, #tpu.memory_space<hbm>> -> memref<128xi32, #tpu.memory_space<hbm>>
      %dma_wait3A_256 = tpu.memref_slice %arg4[%multiple_of3A_252] : memref<320000xi32, #tpu.memory_space<hbm>> -> memref<128xi32, #tpu.memory_space<hbm>>
      tpu.wait_dma2 semaphore(%arg19 : memref<!tpu.dma_semaphore, #tpu.memory_space<semaphore_mem>>) src(%dma_wait3A_256 : memref<128xi32, #tpu.memory_space<hbm>>) dst(%arg10 : memref<128xi32, #tpu.memory_space<vmem>>)
      %dma_wait3A_257 = arith.constant 0 : i32
      %dma_wait3A_258 = arith.constant 0 : i32
      %dma_wait3A_259 = tpu.memref_slice %arg2[%dma_wait3A_257, %dma_wait3A_258] : memref<10000x128xf32, #tpu.memory_space<hbm>> -> memref<10000x128xf32, #tpu.memory_space<hbm>>
      tpu.wait_indirect_dma semaphore(%arg16 : memref<!tpu.dma_semaphore, #tpu.memory_space<semaphore_mem>>) src(%dma_wait3A_259 : memref<10000x128xf32, #tpu.memory_space<hbm>>) dst(%arg13 : memref<128x128xf32, #tpu.memory_space<vmem>>)
      %dma_start3A_260 = arith.constant 0 : i32
      %dma_start3A_261 = arith.constant 0 : i32
      %dma_start3A_262 = tpu.memref_slice %arg2[%dma_start3A_260, %dma_start3A_261] : memref<10000x128xf32, #tpu.memory_space<hbm>> -> memref<10000x128xf32, #tpu.memory_space<hbm>>
      tpu.enqueue_indirect_dma source(%dma_start3A_262 : memref<10000x128xf32, #tpu.memory_space<hbm>>) target(%arg14 : memref<128x128xf32, #tpu.memory_space<vmem>>) offsets(%arg8 : memref<128xi32, #tpu.memory_space<vmem>>) semaphore(%arg17 : memref<!tpu.dma_semaphore, #tpu.memory_space<semaphore_mem>>)
      "tpu.region"() ({
        %run_scoped3A = tpu.sem_alloc : memref<!tpu.dma_semaphore, #tpu.memory_space<semaphore_mem>>
        %dma_start3A_276 = arith.constant 0 : i32
        %dma_start3A_277 = arith.constant 0 : i32
        %dma_start3A_278 = tpu.memref_slice %arg15[%dma_start3A_276, %dma_start3A_277] : memref<10240x128xf32, #tpu.memory_space<vmem_shared>> -> memref<10240x128xf32, #tpu.memory_space<vmem_shared>>
        tpu.enqueue_indirect_dma source(%arg13 : memref<128x128xf32, #tpu.memory_space<vmem>>) target(%dma_start3A_278 : memref<10240x128xf32, #tpu.memory_space<vmem_shared>>) offsets(%arg9 : memref<128xi32, #tpu.memory_space<vmem>>) semaphore(%run_scoped3A : memref<!tpu.dma_semaphore, #tpu.memory_space<semaphore_mem>>) {add = true}
        %dma_wait3A_279 = arith.constant 0 : i32
        %dma_wait3A_280 = arith.constant 0 : i32
        %dma_wait3A_281 = tpu.memref_slice %arg15[%dma_wait3A_279, %dma_wait3A_280] : memref<10240x128xf32, #tpu.memory_space<vmem_shared>> -> memref<10240x128xf32, #tpu.memory_space<vmem_shared>>
        tpu.wait_indirect_dma semaphore(%run_scoped3A : memref<!tpu.dma_semaphore, #tpu.memory_space<semaphore_mem>>) src(%arg13 : memref<128x128xf32, #tpu.memory_space<vmem>>) dst(%dma_wait3A_281 : memref<10240x128xf32, #tpu.memory_space<vmem_shared>>)
        tpu.yield
      }) : () -> ()
      %add3A_263 = arith.constant 2 : i32
      %add3A_264 = arith.addi %add3A_243, %add3A_263 : i32
      %sub3A_265 = arith.constant 1 : i32
      %sub3A_266 = arith.subi %select_n3A_27, %sub3A_265 : i32
      %min3A_267 = arith.minsi %add3A_264, %sub3A_266 : i32
      %mul3A_268 = arith.constant 128 : i32
      %mul3A_269 = arith.muli %min3A_267, %mul3A_268 : i32
      %add3A_270 = arith.addi %mul3A_32, %mul3A_269 : i32
      %multiple_of3A_271 = tpu.assume_multiple %add3A_270, 128 : i32
      %dma_start3A_272 = tpu.memref_slice %arg3[%multiple_of3A_271] : memref<320000xi32, #tpu.memory_space<hbm>> -> memref<128xi32, #tpu.memory_space<hbm>>
      %dma_start3A_273 = tpu.memref_slice %arg3[%multiple_of3A_271] : memref<320000xi32, #tpu.memory_space<hbm>> -> memref<128xi32, #tpu.memory_space<hbm>>
      tpu.enqueue_dma source(%dma_start3A_273 : memref<128xi32, #tpu.memory_space<hbm>>) target(%arg7 : memref<128xi32, #tpu.memory_space<vmem>>) target_semaphore(%arg18 : memref<!tpu.dma_semaphore, #tpu.memory_space<semaphore_mem>>)
      %dma_start3A_274 = tpu.memref_slice %arg4[%multiple_of3A_271] : memref<320000xi32, #tpu.memory_space<hbm>> -> memref<128xi32, #tpu.memory_space<hbm>>
      %dma_start3A_275 = tpu.memref_slice %arg4[%multiple_of3A_271] : memref<320000xi32, #tpu.memory_space<hbm>> -> memref<128xi32, #tpu.memory_space<hbm>>
      tpu.enqueue_dma source(%dma_start3A_275 : memref<128xi32, #tpu.memory_space<hbm>>) target(%arg9 : memref<128xi32, #tpu.memory_space<vmem>>) target_semaphore(%arg18 : memref<!tpu.dma_semaphore, #tpu.memory_space<semaphore_mem>>)
    }
    %dma_wait3A_191 = arith.constant 0 : i32
    %dma_wait3A_192 = arith.constant 0 : i32
    %dma_wait3A_193 = tpu.memref_slice %arg2[%dma_wait3A_191, %dma_wait3A_192] : memref<10000x128xf32, #tpu.memory_space<hbm>> -> memref<10000x128xf32, #tpu.memory_space<hbm>>
    tpu.wait_indirect_dma semaphore(%arg17 : memref<!tpu.dma_semaphore, #tpu.memory_space<semaphore_mem>>) src(%dma_wait3A_193 : memref<10000x128xf32, #tpu.memory_space<hbm>>) dst(%arg14 : memref<128x128xf32, #tpu.memory_space<vmem>>)
    %sub3A_194 = arith.constant 1 : i32
    %sub3A_195 = arith.subi %select_n3A_27, %sub3A_194 : i32
    %mul3A_196 = arith.constant 128 : i32
    %mul3A_197 = arith.muli %sub3A_195, %mul3A_196 : i32
    %add3A_198 = arith.addi %mul3A_32, %mul3A_197 : i32
    %multiple_of3A_199 = tpu.assume_multiple %add3A_198, 128 : i32
    %dma_wait3A_200 = tpu.memref_slice %arg3[%multiple_of3A_199] : memref<320000xi32, #tpu.memory_space<hbm>> -> memref<128xi32, #tpu.memory_space<hbm>>
    %dma_wait3A_201 = tpu.memref_slice %arg3[%multiple_of3A_199] : memref<320000xi32, #tpu.memory_space<hbm>> -> memref<128xi32, #tpu.memory_space<hbm>>
    tpu.wait_dma2 semaphore(%arg18 : memref<!tpu.dma_semaphore, #tpu.memory_space<semaphore_mem>>) src(%dma_wait3A_201 : memref<128xi32, #tpu.memory_space<hbm>>) dst(%arg7 : memref<128xi32, #tpu.memory_space<vmem>>)
    %dma_wait3A_202 = tpu.memref_slice %arg4[%multiple_of3A_199] : memref<320000xi32, #tpu.memory_space<hbm>> -> memref<128xi32, #tpu.memory_space<hbm>>
    %dma_wait3A_203 = tpu.memref_slice %arg4[%multiple_of3A_199] : memref<320000xi32, #tpu.memory_space<hbm>> -> memref<128xi32, #tpu.memory_space<hbm>>
    tpu.wait_dma2 semaphore(%arg18 : memref<!tpu.dma_semaphore, #tpu.memory_space<semaphore_mem>>) src(%dma_wait3A_203 : memref<128xi32, #tpu.memory_space<hbm>>) dst(%arg9 : memref<128xi32, #tpu.memory_space<vmem>>)
    %barrier3A_204 = arith.constant 0 : index
    tpu.barrier barrier_id(%barrier3A_204)
    "tpu.region"() ({
      %run_scoped3A = tpu.sem_alloc : memref<!tpu.dma_semaphore, #tpu.memory_space<semaphore_mem>>
      %dma_start3A_205 = arith.constant 0 : i32
      %dma_start3A_206 = tpu.memref_slice %arg6[%arg0, %mul3A_34, %dma_start3A_205] : memref<2x10240x128xf32, #tpu.memory_space<hbm>> -> memref<1x640x128xf32, #tpu.memory_space<hbm>>
      %dma_start3A_207 = tpu.memref_squeeze %dma_start3A_206 : memref<1x640x128xf32, #tpu.memory_space<hbm>> -> memref<640x128xf32, #tpu.memory_space<hbm>>
      %dma_start3A_208 = arith.constant 0 : i32
      %dma_start3A_209 = tpu.memref_slice %arg15[%mul3A_34, %dma_start3A_208] : memref<10240x128xf32, #tpu.memory_space<vmem_shared>> -> memref<640x128xf32, #tpu.memory_space<vmem_shared>>
      tpu.enqueue_dma source(%dma_start3A_209 : memref<640x128xf32, #tpu.memory_space<vmem_shared>>) target(%dma_start3A_207 : memref<640x128xf32, #tpu.memory_space<hbm>>) target_semaphore(%run_scoped3A : memref<!tpu.dma_semaphore, #tpu.memory_space<semaphore_mem>>)
      %dma_wait3A_210 = arith.constant 0 : i32
      %dma_wait3A_211 = tpu.memref_slice %arg6[%arg0, %mul3A_34, %dma_wait3A_210] : memref<2x10240x128xf32, #tpu.memory_space<hbm>> -> memref<1x640x128xf32, #tpu.memory_space<hbm>>
      %dma_wait3A_212 = tpu.memref_squeeze %dma_wait3A_211 : memref<1x640x128xf32, #tpu.memory_space<hbm>> -> memref<640x128xf32, #tpu.memory_space<hbm>>
      %dma_wait3A_213 = arith.constant 0 : i32
      %dma_wait3A_214 = tpu.memref_slice %arg15[%mul3A_34, %dma_wait3A_213] : memref<10240x128xf32, #tpu.memory_space<vmem_shared>> -> memref<640x128xf32, #tpu.memory_space<vmem_shared>>
      tpu.wait_dma2 semaphore(%run_scoped3A : memref<!tpu.dma_semaphore, #tpu.memory_space<semaphore_mem>>) src(%dma_wait3A_214 : memref<640x128xf32, #tpu.memory_space<vmem_shared>>) dst(%dma_wait3A_212 : memref<640x128xf32, #tpu.memory_space<hbm>>)
      tpu.yield
    }) : () -> ()
    return
  }
}

module attributes {stable_mosaic.version = 14 : i64} {
  func.func @_scale_body(%arg0: i32, %arg1: memref<1000x128xf32, #tpu.memory_space<vmem>>, %arg2: memref<1000x2xf32, #tpu.memory_space<vmem>>, %arg3: memref<1000x128xf32, #tpu.memory_space<vmem>>) attributes {dimension_semantics = [#tpu.dimension_semantics<arbitrary>], iteration_bounds = array<i64: 10>, scalar_prefetch = 0 : i64, scratch_operands = 0 : i64, tpu.core_type = #tpu.core_type<tc>, window_params = [{transform_indices = @transform_0, window_bounds = array<i64: 1000, 128>}, {transform_indices = @transform_1, window_bounds = array<i64: 1000, 2>}, {transform_indices = @transform_2, window_bounds = array<i64: 1000, 128>}]} {
    %get3A = arith.constant 0 : index
    %get3A_0 = arith.constant 0 : index
    %get3A_1 = vector.load %arg2[%get3A, %get3A_0] : memref<1000x2xf32, #tpu.memory_space<vmem>>, vector<1000x1xf32>
    %get3A_2 = arith.constant 0 : index
    %get3A_3 = arith.constant 1 : index
    %get3A_4 = vector.load %arg2[%get3A_2, %get3A_3] : memref<1000x2xf32, #tpu.memory_space<vmem>>, vector<1000x1xf32>
    %add3A = arith.addf %get3A_1, %get3A_4 : vector<1000x1xf32>
    %add3A_5 = arith.constant 1.000000e+00 : f32
    %add3A_6 = vector.broadcast %add3A_5 : f32 to vector<1000x1xf32>
    %add3A_7 = arith.addf %add3A, %add3A_6 : vector<1000x1xf32>
    %get3A_8 = arith.constant 0 : index
    %get3A_9 = arith.constant 0 : index
    %get3A_10 = vector.load %arg1[%get3A_8, %get3A_9] : memref<1000x128xf32, #tpu.memory_space<vmem>>, vector<1000x128xf32>
    %rsqrt3A = math.rsqrt %add3A_7 : vector<1000x1xf32>
    %mul3A = vector.broadcast %rsqrt3A : vector<1000x1xf32> to vector<1000x128xf32>
    %mul3A_11 = arith.mulf %get3A_10, %mul3A : vector<1000x128xf32>
    %swap3A = arith.constant 0 : index
    %swap3A_12 = arith.constant 0 : index
    %swap3A_13 = vector.load %arg3[%swap3A, %swap3A_12] : memref<1000x128xf32, #tpu.memory_space<vmem>>, vector<1000x128xf32>
    tpu.vector_store %arg3[%swap3A, %swap3A_12], %mul3A_11 {strides = array<i32>} : memref<1000x128xf32, #tpu.memory_space<vmem>>, vector<1000x128xf32>,
    return
  }
  func.func @transform_0(%arg0: i32) -> (i32, i32) {
    %c0_i32 = arith.constant 0 : i32
    %c0_i32_0 = arith.constant 0 : i32
    return %arg0, %c0_i32 : i32, i32
  }
  func.func @transform_1(%arg0: i32) -> (i32, i32) {
    %c0_i32 = arith.constant 0 : i32
    %c0_i32_0 = arith.constant 0 : i32
    return %arg0, %c0_i32 : i32, i32
  }
  func.func @transform_2(%arg0: i32) -> (i32, i32) {
    %c0_i32 = arith.constant 0 : i32
    %c0_i32_0 = arith.constant 0 : i32
    return %arg0, %c0_i32 : i32, i32
  }
}

module attributes {stable_mosaic.version = 14 : i64} {
  func.func @_mm_body(%arg0: i32, %arg1: memref<1000x128xf32, #tpu.memory_space<vmem>>, %arg2: memref<128x128xf32, #tpu.memory_space<vmem>>, %arg3: memref<1000x128xf32, #tpu.memory_space<vmem>>) attributes {dimension_semantics = [#tpu.dimension_semantics<arbitrary>], iteration_bounds = array<i64: 10>, scalar_prefetch = 0 : i64, scratch_operands = 0 : i64, tpu.core_type = #tpu.core_type<tc>, window_params = [{transform_indices = @transform_0, window_bounds = array<i64: 1000, 128>}, {pipeline_mode = #tpu.pipeline_mode<synchronous>, transform_indices = @transform_1, window_bounds = array<i64: 128, 128>}, {transform_indices = @transform_2, window_bounds = array<i64: 1000, 128>}]} {
    %get3A = arith.constant 0 : index
    %get3A_0 = arith.constant 0 : index
    %get3A_1 = vector.load %arg1[%get3A, %get3A_0] : memref<1000x128xf32, #tpu.memory_space<vmem>>, vector<1000x128xf32>
    %get3A_2 = arith.constant 0 : index
    %get3A_3 = arith.constant 0 : index
    %get3A_4 = vector.load %arg2[%get3A_2, %get3A_3] : memref<128x128xf32, #tpu.memory_space<vmem>>, vector<128x128xf32>
    %dot_general3A = arith.constant dense<0.000000e+00> : vector<1000x128xf32>
    %dot_general3A_5 = tpu.matmul %get3A_1, %get3A_4, %dot_general3A {dimension_numbers = #tpu.dot_dimension_numbers<[1], [0], [0], [1], [0, 0, 1, 1], [], []>, precision = #tpu.contract_precision<fp32>, transpose_lhs_hint = false} : vector<1000x128xf32>, vector<128x128xf32>, vector<1000x128xf32> -> vector<1000x128xf32>
    %swap3A = arith.constant 0 : index
    %swap3A_6 = arith.constant 0 : index
    %swap3A_7 = vector.load %arg3[%swap3A, %swap3A_6] : memref<1000x128xf32, #tpu.memory_space<vmem>>, vector<1000x128xf32>
    tpu.vector_store %arg3[%swap3A, %swap3A_6], %dot_general3A_5 {strides = array<i32>} : memref<1000x128xf32, #tpu.memory_space<vmem>>, vector<1000x128xf32>,
    return
  }
  func.func @transform_0(%arg0: i32) -> (i32, i32) {
    %c0_i32 = arith.constant 0 : i32
    %c0_i32_0 = arith.constant 0 : i32
    return %arg0, %c0_i32 : i32, i32
  }
  func.func @transform_1(%arg0: i32) -> (i32, i32) {
    %c0_i32 = arith.constant 0 : i32
    %c0_i32_0 = arith.constant 0 : i32
    %c0_i32_1 = arith.constant 0 : i32
    return %c0_i32, %c0_i32_0 : i32, i32
  }
  func.func @transform_2(%arg0: i32) -> (i32, i32) {
    %c0_i32 = arith.constant 0 : i32
    %c0_i32_0 = arith.constant 0 : i32
    return %arg0, %c0_i32 : i32, i32
  }
}

module attributes {stable_mosaic.version = 14 : i64} {
  func.func @_fin_body(%arg0: i32, %arg1: memref<1x1000x128xf32, #tpu.memory_space<vmem>>, %arg2: memref<1x1000x128xf32, #tpu.memory_space<vmem>>, %arg3: memref<1000x128xf32, #tpu.memory_space<vmem>>, %arg4: memref<1000x2xf32, #tpu.memory_space<vmem>>, %arg5: memref<1x128xf32, #tpu.memory_space<vmem>>, %arg6: memref<1000x128xf32, #tpu.memory_space<vmem>>) attributes {dimension_semantics = [#tpu.dimension_semantics<arbitrary>], iteration_bounds = array<i64: 10>, scalar_prefetch = 0 : i64, scratch_operands = 0 : i64, tpu.core_type = #tpu.core_type<tc>, window_params = [{transform_indices = @transform_0, window_bounds = array<i64: 1, 1000, 128>}, {transform_indices = @transform_1, window_bounds = array<i64: 1, 1000, 128>}, {transform_indices = @transform_2, window_bounds = array<i64: 1000, 128>}, {transform_indices = @transform_3, window_bounds = array<i64: 1000, 2>}, {pipeline_mode = #tpu.pipeline_mode<synchronous>, transform_indices = @transform_4, window_bounds = array<i64: 1, 128>}, {transform_indices = @transform_5, window_bounds = array<i64: 1000, 128>}]} {
    %get3A = arith.constant 0 : index
    %get3A_0 = arith.constant 0 : index
    %get3A_1 = vector.load %arg4[%get3A, %get3A_0] : memref<1000x2xf32, #tpu.memory_space<vmem>>, vector<1000x1xf32>
    %get3A_2 = arith.constant 0 : index
    %get3A_3 = arith.constant 1 : index
    %get3A_4 = vector.load %arg4[%get3A_2, %get3A_3] : memref<1000x2xf32, #tpu.memory_space<vmem>>, vector<1000x1xf32>
    %add3A = arith.addf %get3A_1, %get3A_4 : vector<1000x1xf32>
    %add3A_5 = arith.constant 1.000000e+00 : f32
    %add3A_6 = vector.broadcast %add3A_5 : f32 to vector<1000x1xf32>
    %add3A_7 = arith.addf %add3A, %add3A_6 : vector<1000x1xf32>
    %rsqrt3A = math.rsqrt %add3A_7 : vector<1000x1xf32>
    %get3A_8 = arith.constant 0 : index
    %get3A_9 = arith.constant 0 : index
    %get3A_10 = arith.constant 0 : index
    %get3A_11 = vector.load %arg1[%get3A_8, %get3A_9, %get3A_10] : memref<1x1000x128xf32, #tpu.memory_space<vmem>>, vector<1x1000x128xf32>
    %get3A_12 = vector.shape_cast %get3A_11 : vector<1x1000x128xf32> to vector<1000x128xf32>
    %get3A_13 = arith.constant 0 : index
    %get3A_14 = arith.constant 0 : index
    %get3A_15 = arith.constant 0 : index
    %get3A_16 = vector.load %arg2[%get3A_13, %get3A_14, %get3A_15] : memref<1x1000x128xf32, #tpu.memory_space<vmem>>, vector<1x1000x128xf32>
    %get3A_17 = vector.shape_cast %get3A_16 : vector<1x1000x128xf32> to vector<1000x128xf32>
    %add3A_18 = arith.addf %get3A_12, %get3A_17 : vector<1000x128xf32>
    %get3A_19 = arith.constant 0 : index
    %get3A_20 = arith.constant 0 : index
    %get3A_21 = vector.load %arg3[%get3A_19, %get3A_20] : memref<1000x128xf32, #tpu.memory_space<vmem>>, vector<1000x128xf32>
    %add3A_22 = arith.addf %add3A_18, %get3A_21 : vector<1000x128xf32>
    %mul3A = vector.broadcast %rsqrt3A : vector<1000x1xf32> to vector<1000x128xf32>
    %mul3A_23 = arith.mulf %mul3A, %add3A_22 : vector<1000x128xf32>
    %get3A_24 = arith.constant 0 : index
    %get3A_25 = arith.constant 0 : index
    %get3A_26 = vector.load %arg5[%get3A_24, %get3A_25] : memref<1x128xf32, #tpu.memory_space<vmem>>, vector<1x128xf32>
    %add3A_27 = vector.broadcast %get3A_26 : vector<1x128xf32> to vector<1000x128xf32>
    %add3A_28 = arith.addf %mul3A_23, %add3A_27 : vector<1000x128xf32>
    %max3A = arith.constant 0.000000e+00 : f32
    %max3A_29 = vector.broadcast %max3A : f32 to vector<1000x128xf32>
    %max3A_30 = arith.maximumf %add3A_28, %max3A_29 : vector<1000x128xf32>
    %swap3A = arith.constant 0 : index
    %swap3A_31 = arith.constant 0 : index
    %swap3A_32 = vector.load %arg6[%swap3A, %swap3A_31] : memref<1000x128xf32, #tpu.memory_space<vmem>>, vector<1000x128xf32>
    tpu.vector_store %arg6[%swap3A, %swap3A_31], %max3A_30 {strides = array<i32>} : memref<1000x128xf32, #tpu.memory_space<vmem>>, vector<1000x128xf32>,
    return
  }
  func.func @transform_0(%arg0: i32) -> (i32, i32, i32) {
    %c0_i32 = arith.constant 0 : i32
    %c0_i32_0 = arith.constant 0 : i32
    %c0_i32_1 = arith.constant 0 : i32
    return %c0_i32, %arg0, %c0_i32_0 : i32, i32, i32
  }
  func.func @transform_1(%arg0: i32) -> (i32, i32, i32) {
    %c1_i32 = arith.constant 1 : i32
    %c0_i32 = arith.constant 0 : i32
    %c0_i32_0 = arith.constant 0 : i32
    return %c1_i32, %arg0, %c0_i32 : i32, i32, i32
  }
  func.func @transform_2(%arg0: i32) -> (i32, i32) {
    %c0_i32 = arith.constant 0 : i32
    %c0_i32_0 = arith.constant 0 : i32
    return %arg0, %c0_i32 : i32, i32
  }
  func.func @transform_3(%arg0: i32) -> (i32, i32) {
    %c0_i32 = arith.constant 0 : i32
    %c0_i32_0 = arith.constant 0 : i32
    return %arg0, %c0_i32 : i32, i32
  }
  func.func @transform_4(%arg0: i32) -> (i32, i32) {
    %c0_i32 = arith.constant 0 : i32
    %c0_i32_0 = arith.constant 0 : i32
    %c0_i32_1 = arith.constant 0 : i32
    return %c0_i32, %c0_i32_0 : i32, i32
  }
  func.func @transform_5(%arg0: i32) -> (i32, i32) {
    %c0_i32 = arith.constant 0 : i32
    %c0_i32_0 = arith.constant 0 : i32
    return %arg0, %c0_i32 : i32, i32
  }
}

</mosaic_0001>

<sc_bundles>
// kernel: kernel.10.cloned.1.call-start
scs
__scs_entry_jumppad:
0x0: {  	(pc) =	sbr.rel $0x88, $3  }
0x1: {  	(tag) =	ssettag $0x0;
	lr =	simm.s32 $0x1  }
0x2: {  	[smem:$0x3F9D] =	sst lr;
	_ =	strace $0xD0000000  }
0x3: {  	_ = 	snop  }
0x4: {  	_ = 	snop  }
0x5: {  	_ = 	snop  }
0x6: {  	_ = 	snop  }
0x7: {  	_ = 	snop  }
__scs_overlays_trampoline_lowered:
0x8: {  	[smem:$0x3FAC] =	sst s0  }
0x9: {  	[smem:$0x3FAD] =	sst s1  }
0xa: {  	[smem:$0x3FAE] =	sst s2  }
0xb: {  	[smem:$0x3FAF] =	sst s3  }
0xc: {  	[smem:$0x3FB0] =	sst s4  }
0xd: {  	[smem:$0x3FB1] =	sst s5  }
0xe: {  	[smem:$0x3FB2] =	sst s6  }
0xf: {  	[smem:$0x3FB3] =	sst s7  }
0x10: {  	[smem:$0x3FB4] =	sst s8  }
0x11: {  	[smem:$0x3FB5] =	sst s9;
	s0 =	simm.s32 @!p0 $0x0  }
0x12: {  	s1 =	sld [smem:$0x3F9B];
	s0 =	simm.s32 @p0 $0x1  }
0x13: {  	[smem:$0x3FB6] =	sst s0;
	s0 =	simm.s32 @!p1 $0x0  }
0x14: {  	s2 =	sld [smem:$0x3F9A];
	s0 =	simm.s32 @p1 $0x1  }
0x15: {  	[smem:$0x3FB7] =	sst s0;
	s0 =	simm.s32 @!p2 $0x0  }
0x16: {  	s3 =	sld [smem:$0x3FDB];
	s0 =	simm.s32 @p2 $0x1  }
0x17: {  	s4 =	simm.s32 $0x1BF5;
	[smem:$0x3FB9] =	sst s0  }
0x18: {  	s0 =	sld [smem:$0x3F9C];
	_ =	swait.ge [sflag:s4], $0x0  }
0x19: {  	s7 =	sld [smem:$0x3F9D]  }
0x1a: {  	s8 =	sadd.s32 $0xFFFFE003, lr  }
0x1b: {  	s9 =	sadd.s32 $0xFFFFFEF7, lr;
	s5 =	simm.s32 $0xFFFFFFFF;
	p2 =	slt.u32 s8, $0xFFFFF086  }
0x1c: {  	p1 =	slt.u32 s9, $0xF7A;
	s5 =	simm.s32 @!p2 $0x0  }
0x1d: {  	s5 =	simm.s32 @p1 $0x1;
	p0 =	seq.s32 s7, s2  }
0x1e: {  	s7 =	smul.u32 @!p0 $0xF7A, s2;
	p2 =	seq.s32 @!p0 s5, $0x0  }
0x1f: {  	s9 =	smul.u32 $0xF7A, s1;
	s8 =	simm.s32 @!p0 $0x1BF5;
	p2 =	por !p2, p0  }
0x20: {  	[sflag:s8] =	ssyncset.s32 @!p0 $0xFFFFF086;
	s6 =	sadd.s32 @!p0 s3, s7;
	s7 =	simm.s32 @!p0 $0x108  }
0x21: {  	s3 =	sadd.s32 s3, s9;
	s6 =	sadd.s32 @!p0 $0x88, s6;
	s7 =	simm.s32 @p2 $0x1082  }
0x22: {  	[simem:s7], [sflag:s8] =	dma.local @!p0 [hbm:s6], $0xF7A  }
0x23: {  	s9 =	sor.u32 $0xD0000000, s2;
	s6 =	simm.s32 $0x108;
	_ =	swait.ge @!p0 [sflag:s8], $0x0  }
0x24: {  	s3 =	sadd.s32 $0x88, s3;
	s6 =	simm.s32 @!p1 $0x1082;
	[sflag:s4] =	ssyncset.s32 $0xFFFFF086  }
0x25: {  	[simem:s6], [sflag:s4] =	dma.local [hbm:s3], $0xF7A  }
0x26: {  	[smem:$0x3F9D] =	sst s1;
	(tag) =	ssettag s2;
	_ =	strace s9  }
0x27: {  	s1 =	sld [smem:$0x3FAD]  }
0x28: {  	s2 =	sld [smem:$0x3FAE]  }
0x29: {  	s4 =	sld [smem:$0x3FB0]  }
0x2a: {  	p0 =	seq.s32 s5, $0x0;
	s5 =	sld [smem:$0x3FB1]  }
0x2b: {  	s6 =	sld [smem:$0x3FB2]  }
0x2c: {  	s7 =	sld [smem:$0x3FB3]  }
0x2d: {  	s3 =	simm.s32 $0x108;
	s8 =	sld [smem:$0x3FB4]  }
0x2e: {  	s3 =	simm.s32 @!p0 $0x1082;
	s9 =	sld [smem:$0x3FB5]  }
0x2f: {  	lr =	sadd.s32 s0, s3;
	s0 =	sld [smem:$0x3FAC]  }
0x30: {  	s3 =	sld [smem:$0x3FAF]  }
0x31: {  	[smem:$0x3FB8] =	sst s10  }
0x32: {  	s10 =	sld [smem:$0x3FB6];
	_ =	sdelay $0x3  }
0x33: {  	p0 =	seq.s32 s10, $0x1;
	s10 =	sld [smem:$0x3FB8];
	_ =	sdelay $0x3  }
0x34: {  	[smem:$0x3FB8] =	sst s10  }
0x35: {  	s10 =	sld [smem:$0x3FB7];
	_ =	sdelay $0x3  }
0x36: {  	p1 =	seq.s32 s10, $0x1;
	s10 =	sld [smem:$0x3FB8];
	_ =	sdelay $0x3  }
0x37: {  	[smem:$0x3FB8] =	sst s10  }
0x38: {  	s10 =	sld [smem:$0x3FB9]  }
0x39: {  	_ = 	snop;
	(pc) =	sbr.ind lr, $3  }
0x3a: {  	_ = 	snop  }
0x3b: {  	_ = 	snop  }
0x3c: {  	p2 =	seq.s32 s10, $0x1;
	s10 =	sld [smem:$0x3FB8]  }
0x3d: {  	_ =	shalt  }
0x3e: {  	_ =	shalt  }
0x3f: {  	_ =	shalt  }
0x40: {  	_ =	shalt  }
0x41: {  	_ =	shalt  }
0x42: {  	_ =	shalt  }
0x43: {  	_ =	shalt  }
0x44: {  	_ =	shalt  }
0x45: {  	_ =	shalt  }
0x46: {  	_ =	shalt  }
0x47: {  	_ =	shalt  }
0x48: {  	_ =	shalt  }
0x49: {  	_ =	shalt  }
0x4a: {  	_ =	shalt  }
0x4b: {  	_ =	shalt  }
0x4c: {  	_ =	shalt  }
0x4d: {  	_ =	shalt  }
0x4e: {  	_ =	shalt  }
0x4f: {  	_ =	shalt  }
0x50: {  	_ =	shalt  }
0x51: {  	_ =	shalt  }
0x52: {  	_ =	shalt  }
0x53: {  	_ =	shalt  }
0x54: {  	_ =	shalt  }
0x55: {  	_ =	shalt  }
0x56: {  	_ =	shalt  }
0x57: {  	_ =	shalt  }
0x58: {  	_ =	shalt  }
0x59: {  	_ =	shalt  }
0x5a: {  	_ =	shalt  }
0x5b: {  	_ =	shalt  }
0x5c: {  	_ =	shalt  }
0x5d: {  	_ =	shalt  }
0x5e: {  	_ =	shalt  }
0x5f: {  	_ =	shalt  }
0x60: {  	_ =	shalt  }
0x61: {  	_ =	shalt  }
0x62: {  	_ =	shalt  }
0x63: {  	_ =	shalt  }
0x64: {  	_ =	shalt  }
0x65: {  	_ =	shalt  }
0x66: {  	_ =	shalt  }
0x67: {  	_ =	shalt  }
0x68: {  	_ =	shalt  }
0x69: {  	_ =	shalt  }
0x6a: {  	_ =	shalt  }
0x6b: {  	_ =	shalt  }
0x6c: {  	_ =	shalt  }
0x6d: {  	_ =	shalt  }
0x6e: {  	_ =	shalt  }
0x6f: {  	_ =	shalt  }
0x70: {  	_ =	shalt  }
0x71: {  	_ =	shalt  }
0x72: {  	_ =	shalt  }
0x73: {  	_ =	shalt  }
0x74: {  	_ =	shalt  }
0x75: {  	_ =	shalt  }
0x76: {  	_ =	shalt  }
0x77: {  	_ =	shalt  }
0x78: {  	_ =	shalt  }
0x79: {  	_ =	shalt  }
0x7a: {  	_ =	shalt  }
0x7b: {  	_ =	shalt  }
0x7c: {  	_ =	shalt  }
0x7d: {  	_ =	shalt  }
0x7e: {  	_ =	shalt  }
0x7f: {  	_ =	shalt  }
0x80: {  	_ =	shalt  }
0x81: {  	_ =	shalt  }
0x82: {  	_ =	shalt  }
0x83: {  	_ =	shalt  }
0x84: {  	_ =	shalt  }
0x85: {  	_ =	shalt  }
0x86: {  	_ =	shalt  }
0x87: {  	_ =	shalt  }
.Lfunc_end0:
.L_simem_size_0:
called_computation.1_lowered:
.L_overlay_start_0:
0x88: {  	s2 =	sld [smem:$0x3FD9]  }
0x89: {  	s3 =	sld [smem:$0x3FFE];
	_ =	sdelay $0x1  }
0x8a: {  	s1 =	srdreg.scid  }
0x8b: {  	s0 =	sand.u32 $0x1, s1  }
0x8c: {  	s17 =	sshll.u32 s0, $0xA;
	s2 =	sadd.s32 s3, s2  }
0x8d: {  	s2 =	sadd.s32 s2, s17  }
0x8e: {  	[smem:$0x3FC4] =	sst s2  }
0x8f: {  	_ = 	snop  }
0x90: {  	s2 =	sld [smem:$0x3FD0];
	(tm) =	ssettm $0x1  }
0x91: {  	s18 =	sld [smem:$0x3FFB];
	_ =	sdelay $0x3  }
0x92: {  	_ =	strace s18  }
0x93: {  	s3 =	sld [smem:$0x3FFC];
	_ =	sdelay $0x3  }
0x94: {  	_ =	strace s3  }
0x95: {  	s3 =	sld [smem:$0x3FFD];
	_ =	sdelay $0x3  }
0x96: {  	_ =	strace s3  }
0x97: {  	_ =	strace $0x8FFFFFFF  }
0x98: {  	s19 =	sld [smem:$0x3FDB];
	_ =	sdelay $0x1  }
0x99: {  	s4 =	simm.s32 $_scs_section_size  }
0x9a: {  	s5 =	simm.s32 $_size__tile_overlayer_lowered;
	s6 =	simm.s32 $_tile_overlayer_lowered  }
0x9b: {  	s22 =	simm.s32 $0x1BFF;
	s21 =	sshll.u32 s6, $0x1;
	s3 =	sadd.s32 s4, s19  }
0x9c: {  	s7 =	simm.s32 $0x0;
	s20 =	sshll.u32 s5, $0x1;
	s5 =	sadd.s32 s21, s3  }
0x9d: {  	[timem:s7], [sflag:s22] =	dma.local [hbm:s5], s20  }
0x9e: {  	_ =	swait.ge [sflag:s22], s20  }
0x9f: {  	s4 =	ssub.s32 $0x0, s20;
	[sflag:s22] =	ssyncset.done $0x0  }
0xa0: {  	[sflag:s22] =	ssyncadd.s32 s4;
	_ =	sdelay $0x1  }
0xa1: {  	s23 =	simm.s32 $0x1B8B  }
0xa2: {  	_ =	swait.ge [sflag:s23], $0x1  }
0xa3: {  	[sflag:s23] =	ssyncset.done $0x0  }
0xa4: {  	s25 =	simm.s32 $0x1B8E;
	s24 =	sld [smem:$0x3FFE];
	[sflag:s23] =	ssyncadd.s32 $0xFFFFFFFF  }
0xa5: {  	s26 =	simm.s32 $execute0_lowered;
	[smem:$0x3FD2] =	sst s25  }
0xa6: {  	s5 =	sshll.u32 s26, $0x1;
	_ =	strace $0x80000049;
	[dreg:$0x1] =	wrdreg $0xFFFFFFFF  }
0xa7: {  	s28 =	simm.s32 $_size_execute0_lowered;
	s3 =	sadd.s32 s3, s5;
	[dreg:$0x0] =	wrdreg $0x0  }
0xa8: {  	s5 =	sshll.u32 s28, $0x1;
	[dreg:$0x2] =	wrdreg s3  }
0xa9: {  	[dreg:$0x3] =	wrdreg s5  }
0xaa: {  	[dreg:$0x4] =	wrdreg $0xC0  }
0xab: {  	_ =	task [dreg:s7], $0x5FFFF  }
0xac: {  	[dreg:$0x1] =	wrdreg $0xFFFFFFFF  }
0xad: {  	[dreg:$0x0] =	wrdreg $0x60  }
0xae: {  	[dreg:$0x2] =	wrdreg s2  }
0xaf: {  	[dreg:$0x3] =	wrdreg s24  }
0xb0: {  	[dreg:$0x4] =	wrdreg $0x82000  }
0xb1: {  	[dreg:$0x5] =	wrdreg $0x9  }
0xb2: {  	_ =	task.clear_ibuf [dreg:s7], $0x6FFFF;
	_ =	strace $0x90000049  }
0xb3: {  	s29 =	simm.s32 $0x9;
	_ =	strace $0x8000004B  }
0xb4: {  	_ =	swait.ge [sflag:s29], $0x1  }
0xb5: {  	[sflag:s29] =	ssyncadd.s32 $0xFFFFFFFF  }
0xb6: {  	_ =	strace $0x9000004B  }
0xb7: {  	_ =	sfence  }
0xb8: {  	s30 =	sld [smem:$0x0];
	_ =	sdelay $0x2  }
0xb9: {  	s31 =	sshll.u32 s1, $0xD;
	s1 =	sshrl.u32 s1, $0x2  }
0xba: {  	s3 =	sand.u32 $0x4000, s31;
	s1 =	sadd.s32 s1, s30  }
0xbb: {  	s0 =	sor.u32 s3, s0;
	s1 =	sshll.u32 s1, $0x11  }
0xbc: {  	s0 =	sor.u32 s1, s0  }
0xbd: {  	s0 =	sadd.s32 $0x8F2B, s0  }
0xbe: {  	[sflag:s0] =	ssyncadd.remote.s32 $0x1  }
0xbf: {  	_ =	sfence.sel $0xFFFF  }
0xc0: {  	[dreg:$0x0] =	wrdreg $0xFFFFFFFF;
	(pc) =	sbr.abs _section_cstart, $3  }
0xc1: {  	[dreg:$0x1] =	wrdreg $0xFFFFFFFF  }
0xc2: {  	_ =	task.clear_ibuf [dreg:s7], $0x2FFFF;
	_ =	strace $0x9FFFFFFF  }
0xc3: {  	(tm) =	ssettm $0x7FFFFFFF  }
tec
execute0_lowered:
.L_overlay_start_1:
0x0: {  	(tag) =	ssettag $0x1  }
0x1: {  	s0 =	rddreg [dreg:$0x0]  }
0x2: {  	s1 =	rddreg [dreg:$0x1];
	s2 =	srdreg.scid  }
0x3: {  	s3 =	rddreg [dreg:$0x2];
	s15 =	stileid.u32  }
0x4: {  	s4 =	simm.s32 $0x0;
	s28 =	simm.s32 $0x3;
	s29 =	simm.s32 $0x80  }
0x5: {  	s30 =	simm.s32 $0x180;
	s31 =	simm.s32 $0x200;
	s2 =	sand.u32 $0x1, s2  }
0x6: {  	s7 =	smul.u32 $0x14000, s15;
	[smem:$0x7FF] =	sst s4;
	s5 =	sadd.s32 $0x1800, s1  }
0x7: {  	s9 =	smin.u32 s15, $0xA;
	s11 =	smax.u32 s15, $0xA;
	s18 =	smul.u32 $0x50000, s15  }
0x8: {  	s13 =	smin.u32 s15, $0x8;
	p0 =	slt.u32 s15, $0xA;
	s6 =	smul.u32 $0x140000, s2  }
0x9: {  	s14 =	smax.u32 s15, $0x8;
	s20 =	sshll.u32 s15, $0x6;
	s9 =	smul.u32 $0x79, s9  }
0xa: {  	_ =	strace $0x8000004A;
	s26 =	ssub.s32 $0x2, s2;
	s11 =	smul.u32 $0x77, s11  }
0xb: {  	s16 =	smul.u32 $0x23, s14;
	s14 =	simm.s32 $0x25;
	[dreg:$0x4] =	wrdreg s20  }
0xc: {  	s10 =	sshrl.u32 s26, $0x1;
	s19 =	sshrl.u32 s18, $0x2;
	s8 =	sadd.s32 s7, s6  }
0xd: {  	s6 =	sadd.s32 $0xB600, s1;
	s7 =	sadd.s32 $0x15400, s1;
	s12 =	ssub.s32 s26, s10  }
0xe: {  	s10 =	smul.u32 $0x25, s13;
	s13 =	simm.s32 $0x79;
	s8 =	sshrl.u32 s8, $0x3  }
0xf: {  	s13 =	simm.s32 @!p0 $0x77;
	p0 =	slt.u32 s15, $0x8;
	s1 =	sadd.s32 s8, s1  }
0x10: {  	s8 =	sadd.s32 s9, s11;
	s17 =	sadd.s32 s10, s16;
	s14 =	simm.s32 @!p0 $0x23  }
0x11: {  	p0 =	seq.s32 s2, $0x0;
	s2 =	sadd.s32 s19, s3;
	s10 =	sor.u32 $0x1C01, s20  }
0x12: {  	s19 =	smax.u32 s12, $0x1;
	s12 =	simm.s32 $0x0;
	s11 =	sadd.s32 $0xFFFFFB5A, s8  }
0x13: {  	s8 =	sadd.s32 $0x66C, s17;
	s14 =	smov.u32 @p0 s13;
	s9 =	sadd.s32 $0x4000, s2  }
0x14: {  	s15 =	sadd.s32 $0xC000, s2;
	s16 =	sadd.s32 $0x10000, s2;
	s8 =	smov.u32 @p0 s11  }
0x15: {  	s20 =	sshrl.u32 s2, $0x3;
	s11 =	sadd.s32 $0x8000, s2;
	s21 =	sshll.u32 s8, $0x4  }
0x16: {  	s2 =	simm.s32 $0x4200;
	s17 =	sand.u32 $0x1FFFFFF0, s21;
	s21 =	sshrl.u32 s9, $0x3  }
0x17: {  	s9 =	simm.s32 $0x5;
	s13 =	sadd.s32 s5, s17;
	s22 =	sadd.s32 s6, s17  }
0x18: {  	s18 =	sadd.s32 $0x10, s17;
	s24 =	sadd.s32 $0x20, s17;
	[dreg:$0x5] =	wrdreg s13  }
0x19: {  	[dreg:$0x6] =	wrdreg s22;
	s13 =	sadd.s32 $0xFFFFFFFF, s14;
	s23 =	sadd.s32 s5, s18  }
0x1a: {  	s25 =	sadd.s32 s6, s18;
	s26 =	sadd.s32 s5, s24;
	[dreg:$0x7] =	wrdreg s23  }
0x1b: {  	s14 =	sadd.s32 s6, s24;
	s18 =	sadd.s32 $0x15C00, s1;
	[dreg:$0x8] =	wrdreg s25  }
0x1c: {  	s22 =	sshrl.u32 s11, $0x3;
	s24 =	sshrl.u32 s16, $0x3;
	[dreg:$0x9] =	wrdreg s26  }
0x1d: {  	s1 =	simm.s32 $0x4;
	s11 =	simm.s32 $0x2;
	[dreg:$0xa] =	wrdreg s14  }
0x1e: {  	s23 =	sshrl.u32 s15, $0x3;
	s25 =	simm.s32 $0x1;
	s26 =	simm.s32 $0x100  }
.LBB2_1:
0x1f: {  	[spmem:s20], [sflag:s10] =	dma.local [hbm:s7], $0x800  }
0x20: {  	[spmem:s21], [sflag:s10] =	dma.local [hbm:s7], $0x800  }
0x21: {  	[spmem:s22], [sflag:s10] =	dma.local [hbm:s7], $0x800  }
0x22: {  	[spmem:s23], [sflag:s10] =	dma.local [hbm:s7], $0x800  }
0x23: {  	[spmem:s24], [sflag:s10] =	dma.local [hbm:s7], $0x800  }
0x24: {  	_ =	swait.ge [sflag:s25], $0x800  }
0x25: {  	[sflag:s25] =	ssyncset.done $0x0  }
0x26: {  	[sflag:s25] =	ssyncadd.s32 $0xFFFFF800  }
0x27: {  	_ =	swait.ge [sflag:s25], $0x800  }
0x28: {  	[sflag:s25] =	ssyncset.done $0x0  }
0x29: {  	[sflag:s25] =	ssyncadd.s32 $0xFFFFF800  }
0x2a: {  	_ =	swait.ge [sflag:s25], $0x800  }
0x2b: {  	[sflag:s25] =	ssyncset.done $0x0  }
0x2c: {  	[sflag:s25] =	ssyncadd.s32 $0xFFFFF800  }
0x2d: {  	_ =	swait.ge [sflag:s25], $0x800  }
0x2e: {  	[sflag:s25] =	ssyncset.done $0x0  }
0x2f: {  	[sflag:s25] =	ssyncadd.s32 $0xFFFFF800  }
0x30: {  	_ =	swait.ge [sflag:s25], $0x800  }
0x31: {  	[sflag:s25] =	ssyncset.done $0x0  }
0x32: {  	[sflag:s25] =	ssyncadd.s32 $0xFFFFF800  }
0x33: {  	[bflag:$0x0] =	sbarrier.arrive $0xFFFF  }
0x34: {  	s14 =	rddreg [dreg:$0x5]  }
0x35: {  	[tilespmem:s4], [sflag:$0x3] =	stream.linear.gather [hbm4b:s14+s4], $0x80, $0x38;
	[tilespmem:$0x1C200] =	vst v63  }
0x36: {  	s15 =	rddreg [dreg:$0x6]  }
0x37: {  	[tilespmem:s26], [sflag:$0x3] =	stream.linear.gather [hbm4b:s15+s4], $0x80, $0x38;
	[tilespmem:$0x1C200] =	vst v63  }
0x38: {  	_ =	swait.ge [sflag:s28], $0x80  }
0x39: {  	[sflag:s28] =	ssyncset.done $0x0  }
0x3a: {  	[sflag:s28] =	ssyncadd.s32 $0xFFFFFF80  }
0x3b: {  	_ =	swait.ge [sflag:s28], $0x80  }
0x3c: {  	[sflag:s28] =	ssyncset.done $0x0  }
0x3d: {  	s16 =	rddreg [dreg:$0x7];
	[sflag:s28] =	ssyncadd.s32 $0xFFFFFF80  }
0x3e: {  	[tilespmem:s29], [sflag:$0x4] =	stream.linear.gather [hbm4b:s16+s4], $0x80, $0x38;
	[tilespmem:$0x1C200] =	vst v63  }
0x3f: {  	s17 =	rddreg [dreg:$0x8]  }
0x40: {  	[tilespmem:s30], [sflag:$0x4] =	stream.linear.gather [hbm4b:s17+s4], $0x80, $0x38;
	[tilespmem:$0x1C200] =	vst v63  }
0x41: {  	_ = 	snop  }
0x42: {  	[tilespmem:s31], [sflag:$0x1] =	stream.indirect.gather [hbm4b:s0+s29], $0x80, s4, s29, $0xb8;
	[tilespmem:$0x1C200] =	vst v63  }
0x43: {  	_ =	swait.ge [sflag:s1], $0x80  }
0x44: {  	[sflag:s1] =	ssyncset.done $0x0  }
0x45: {  	[sflag:s1] =	ssyncadd.s32 $0xFFFFFF80  }
0x46: {  	_ =	swait.ge [sflag:s1], $0x80  }
0x47: {  	[sflag:s1] =	ssyncset.done $0x0  }
0x48: {  	[sflag:s1] =	ssyncadd.s32 $0xFFFFFF80  }
0x49: {  	_ =	swait.ge [sflag:s25], $0x4000  }
0x4a: {  	[sflag:s25] =	ssyncset.done $0x0  }
0x4b: {  	[sflag:s25] =	ssyncadd.s32 $0xFFFFC000  }
0x4c: {  	[tilespmem:s2], [sflag:$0x2] =	stream.indirect.gather [hbm4b:s0+s29], $0x80, s29, s29, $0xb8;
	[tilespmem:$0x1C200] =	vst v63  }
0x4d: {  	_ = 	snop  }
0x4e: {  	[spmem:s3] =	stream.indirect.scatter.add.f32 [tilespmem:s31], [sflag:$0x5], $0x80, s26, s29, $0xb8;
	[tilespmem:$0x1C200] =	vst v63  }
0x4f: {  	_ =	swait.ge [sflag:s9], $0x4000  }
0x50: {  	[sflag:s9] =	ssyncset.done $0x0  }
0x51: {  	s15 =	rddreg [dreg:$0x9];
	[sflag:s9] =	ssyncadd.s32 $0xFFFFC000  }
0x52: {  	[tilespmem:s4], [sflag:$0x3] =	stream.linear.gather [hbm4b:s15+s4], $0x80, $0x38;
	[tilespmem:$0x1C200] =	vst v63  }
0x53: {  	s16 =	rddreg [dreg:$0xa]  }
0x54: {  	[tilespmem:s26], [sflag:$0x3] =	stream.linear.gather [hbm4b:s16+s4], $0x80, $0x38;
	[tilespmem:$0x1C200] =	vst v63  }
0x55: {  	_ =	swait.ge [sflag:s28], $0x80  }
0x56: {  	[sflag:s28] =	ssyncset.done $0x0  }
0x57: {  	[sflag:s28] =	ssyncadd.s32 $0xFFFFFF80  }
0x58: {  	_ =	swait.ge [sflag:s28], $0x80  }
0x59: {  	[sflag:s28] =	ssyncset.done $0x0  }
0x5a: {  	[sflag:s28] =	ssyncadd.s32 $0xFFFFFF80  }
0x5b: {  	p0 =	sgt.s32 s13, $0x3;
	_ =	swait.ge [sflag:s11], $0x4000  }
0x5c: {  	s14 =	simm.s32 $0x3;
	s15 =	smov.u32 s13;
	[sflag:s11] =	ssyncset.done $0x0  }
0x5d: {  	s15 =	smov.u32 @p0 s14;
	[sflag:s11] =	ssyncadd.s32 $0xFFFFC000  }
0x5e: {  	[tilespmem:s31], [sflag:$0x1] =	stream.indirect.gather [hbm4b:s0+s29], $0x80, s4, s29, $0xb8;
	[tilespmem:$0x1C200] =	vst v63  }
0x5f: {  	s14 =	sadd.s32 s8, s15  }
0x60: {  	[spmem:s3] =	stream.indirect.scatter.add.f32 [tilespmem:s2], [sflag:$0x5], $0x80, s30, s29, $0xb8;
	[tilespmem:$0x1C200] =	vst v63  }
0x61: {  	s14 =	sshll.u32 s14, $0x4;
	_ =	swait.ge [sflag:s9], $0x4000  }
0x62: {  	s14 =	sand.u32 $0x1FFFFFF0, s14;
	[sflag:s9] =	ssyncset.done $0x0  }
0x63: {  	s17 =	sadd.s32 s5, s14;
	[sflag:s9] =	ssyncadd.s32 $0xFFFFC000  }
0x64: {  	[tilespmem:s29], [sflag:$0x4] =	stream.linear.gather [hbm4b:s17+s4], $0x80, $0x38;
	[tilespmem:$0x1C200] =	vst v63  }
0x65: {  	s14 =	sadd.s32 s6, s14  }
0x66: {  	[tilespmem:s30], [sflag:$0x4] =	stream.linear.gather [hbm4b:s14+s4], $0x80, $0x38;
	[tilespmem:$0x1C200] =	vst v63  }
0x67: {  	_ =	swait.ge [sflag:s1], $0x80  }
0x68: {  	[sflag:s1] =	ssyncset.done $0x0  }
0x69: {  	[sflag:s1] =	ssyncadd.s32 $0xFFFFFF80  }
0x6a: {  	_ =	swait.ge [sflag:s1], $0x80  }
0x6b: {  	p1 =	sne.s32 s13, $0x2;
	[sflag:s1] =	ssyncset.done $0x0  }
.Ltmp0:
0x6c: {  	p0 =	sgt.s32 s13, $0x4;
	[sflag:s1] =	ssyncadd.s32 $0xFFFFFF80;
	(pc) =	sbr.rel @!p1 .LBB2_3-.Ltmp0, $4  }
0x6d: {  	s15 =	smov.u32 s13;
	s14 =	simm.s32 $0x4;
	_ =	swait.ge [sflag:s25], $0x4000  }
0x6e: {  	s15 =	smov.u32 @p0 s14;
	[sflag:s25] =	ssyncset.done $0x0  }
0x6f: {  	s14 =	simm.s32 $0x2;
	s16 =	sadd.s32 s8, s15;
	[sflag:s25] =	ssyncadd.s32 $0xFFFFC000  }
0x70: {  	[tilespmem:s2], [sflag:$0x2] =	stream.indirect.gather [hbm4b:s0+s29], $0x80, s29, s29, $0xb8;
	[tilespmem:$0x1C200] =	vst v63  }
.LBB2_2:
0x71: {  	[spmem:s3] =	stream.indirect.scatter.add.f32 [tilespmem:s31], [sflag:$0x5], $0x80, s26, s29, $0xb8;
	[tilespmem:$0x1C200] =	vst v63  }
0x72: {  	s15 =	smov.u32 s14  }
0x73: {  	s14 =	sadd.s32 $0x2, s14;
	s16 =	sshll.u32 s16, $0x4;
	_ =	swait.ge [sflag:s9], $0x4000  }
0x74: {  	p0 =	sne.s32 s13, s14;
	s16 =	sand.u32 $0x1FFFFFF0, s16;
	[sflag:s9] =	ssyncset.done $0x0  }
0x75: {  	s17 =	sadd.s32 s5, s16;
	s16 =	sadd.s32 s6, s16;
	[sflag:s9] =	ssyncadd.s32 $0xFFFFC000  }
0x76: {  	[tilespmem:s4], [sflag:$0x3] =	stream.linear.gather [hbm4b:s17+s4], $0x80, $0x38;
	[tilespmem:$0x1C200] =	vst v63  }
0x77: {  	_ = 	snop  }
0x78: {  	[tilespmem:s26], [sflag:$0x3] =	stream.linear.gather [hbm4b:s16+s4], $0x80, $0x38;
	[tilespmem:$0x1C200] =	vst v63  }
0x79: {  	_ =	swait.ge [sflag:s28], $0x80  }
0x7a: {  	[sflag:s28] =	ssyncset.done $0x0  }
0x7b: {  	[sflag:s28] =	ssyncadd.s32 $0xFFFFFF80  }
0x7c: {  	s16 =	sadd.s32 $0x3, s15;
	_ =	swait.ge [sflag:s28], $0x80  }
0x7d: {  	s17 =	smov.u32 s13;
	p1 =	slt.s32 s16, s13;
	[sflag:s28] =	ssyncset.done $0x0  }
0x7e: {  	s17 =	smov.u32 @p1 s16;
	[sflag:s28] =	ssyncadd.s32 $0xFFFFFF80  }
0x7f: {  	_ =	swait.ge [sflag:s11], $0x4000  }
0x80: {  	s16 =	sadd.s32 s8, s17;
	[sflag:s11] =	ssyncset.done $0x0  }
0x81: {  	s16 =	sshll.u32 s16, $0x4;
	[sflag:s11] =	ssyncadd.s32 $0xFFFFC000  }
0x82: {  	[tilespmem:s31], [sflag:$0x1] =	stream.indirect.gather [hbm4b:s0+s29], $0x80, s4, s29, $0xb8;
	[tilespmem:$0x1C200] =	vst v63  }
0x83: {  	_ = 	snop  }
0x84: {  	[spmem:s3] =	stream.indirect.scatter.add.f32 [tilespmem:s2], [sflag:$0x5], $0x80, s30, s29, $0xb8;
	[tilespmem:$0x1C200] =	vst v63  }
0x85: {  	s16 =	sand.u32 $0x1FFFFFF0, s16;
	_ =	swait.ge [sflag:s9], $0x4000  }
0x86: {  	s17 =	sadd.s32 s5, s16;
	[sflag:s9] =	ssyncset.done $0x0  }
0x87: {  	[sflag:s9] =	ssyncadd.s32 $0xFFFFC000  }
0x88: {  	[tilespmem:s29], [sflag:$0x4] =	stream.linear.gather [hbm4b:s17+s4], $0x80, $0x38;
	[tilespmem:$0x1C200] =	vst v63  }
0x89: {  	s16 =	sadd.s32 s6, s16  }
0x8a: {  	[tilespmem:s30], [sflag:$0x4] =	stream.linear.gather [hbm4b:s16+s4], $0x80, $0x38;
	[tilespmem:$0x1C200] =	vst v63  }
0x8b: {  	_ =	swait.ge [sflag:s1], $0x80  }
0x8c: {  	[sflag:s1] =	ssyncset.done $0x0  }
0x8d: {  	[sflag:s1] =	ssyncadd.s32 $0xFFFFFF80  }
0x8e: {  	_ =	swait.ge [sflag:s1], $0x80  }
0x8f: {  	[sflag:s1] =	ssyncset.done $0x0  }
0x90: {  	[sflag:s1] =	ssyncadd.s32 $0xFFFFFF80  }
0x91: {  	_ =	swait.ge [sflag:s25], $0x4000  }
.Ltmp1:
0x92: {  	s15 =	sadd.s32 $0x4, s15;
	[sflag:s25] =	ssyncset.done $0x0;
	(pc) =	sbr.rel @p0 .LBB2_2-.Ltmp1, $4  }
0x93: {  	p1 =	slt.s32 s15, s13;
	s16 =	smov.u32 s13;
	[sflag:s25] =	ssyncadd.s32 $0xFFFFC000  }
0x94: {  	[tilespmem:s2], [sflag:$0x2] =	stream.indirect.gather [hbm4b:s0+s29], $0x80, s29, s29, $0xb8;
	[tilespmem:$0x1C200] =	vst v63  }
0x95: {  	s16 =	smov.u32 @p1 s15  }
0x96: {  	s16 =	sadd.s32 s8, s16  }
.LBB2_3:
0x97: {  	[spmem:s3] =	stream.indirect.scatter.add.f32 [tilespmem:s31], [sflag:$0x5], $0x80, s26, s29, $0xb8;
	[tilespmem:$0x1C200] =	vst v63  }
0x98: {  	s14 =	sshll.u32 s16, $0x4;
	_ =	swait.ge [sflag:s9], $0x4000  }
0x99: {  	s14 =	sand.u32 $0x1FFFFFF0, s14;
	[sflag:s9] =	ssyncset.done $0x0  }
0x9a: {  	s15 =	sadd.s32 s5, s14;
	[sflag:s9] =	ssyncadd.s32 $0xFFFFC000  }
0x9b: {  	[tilespmem:s4], [sflag:$0x3] =	stream.linear.gather [hbm4b:s15+s4], $0x80, $0x38;
	[tilespmem:$0x1C200] =	vst v63  }
0x9c: {  	s14 =	sadd.s32 s6, s14  }
0x9d: {  	[tilespmem:s26], [sflag:$0x3] =	stream.linear.gather [hbm4b:s14+s4], $0x80, $0x38;
	[tilespmem:$0x1C200] =	vst v63  }
0x9e: {  	_ =	swait.ge [sflag:s11], $0x4000  }
0x9f: {  	[sflag:s11] =	ssyncset.done $0x0  }
0xa0: {  	[sflag:s11] =	ssyncadd.s32 $0xFFFFC000  }
0xa1: {  	_ =	swait.ge [sflag:s28], $0x80  }
0xa2: {  	[sflag:s28] =	ssyncset.done $0x0  }
0xa3: {  	[sflag:s28] =	ssyncadd.s32 $0xFFFFFF80  }
0xa4: {  	_ =	swait.ge [sflag:s28], $0x80  }
0xa5: {  	[sflag:s28] =	ssyncset.done $0x0  }
0xa6: {  	[sflag:s28] =	ssyncadd.s32 $0xFFFFFF80  }
0xa7: {  	s12 =	sadd.s32 $0x1, s12;
	[bflag:$0x0] =	sbarrier.arrive $0xFFFF  }
0xa8: {  	p0 =	sne.s32 s12, s19;
	s17 =	rddreg [dreg:$0x4]  }
.Ltmp2:
0xa9: {  	s14 =	sor.u32 $0x1C05, s17;
	(pc) =	sbr.rel @p0 .LBB2_1-.Ltmp2, $4  }
0xaa: {  	[hbm:s18], [sflag:s14] =	dma.local [spmem:s20], $0x2800  }
0xab: {  	_ =	swait.ge [sflag:s9], $0x2800  }
0xac: {  	[sflag:s9] =	ssyncset.done $0x0  }
0xad: {  	[sflag:s9] =	ssyncadd.s32 $0xFFFFD800  }
0xae: {  	_ =	sfence.sel $0x180000  }
0xaf: {  	[bflag:$0x0] =	sbarrier.arrive $0xFFFF  }
0xb0: {  	_ =	strace $0x9000004A  }
0xb1: {  	s0 =	stileid.u32;
	[bflag:$0x2] =	sbarrier.arrive $0xFFFF  }
0xb2: {  	p0 =	sne.s32 s0, $0x0;
	s0 =	rddreg [dreg:$0x3]  }
0xb3: {  	s0 =	sadd.s32 @!p0 $0x100000, s0  }
0xb4: {  	[sflag:s0] =	ssyncadd.tile.s32 @!p0 $0x1;
	_ =	shalt  }
.Lfunc_end2:
_tile_overlayer_lowered:
.L_overlay_start_2:
0xb5: {  	(tag) =	ssettag $0x2  }
0xb6: {  	s0 =	rddreg [dreg:$0x0];
	s2 =	stileid.u32  }
0xb7: {  	s1 =	rddreg [dreg:$0x1];
	p0 =	sne.s32 s2, $0x0  }
0xb8: {  	s3 =	rddreg [dreg:$0x2];
	[bflag:$0x3] =	sbarrier.arrive $0xFFFF;
	s2 =	simm.s32 @!p0 $0x1C05  }
0xb9: {  	[timem:s3], [sflag:s2] =	dma.local @!p0 [hbm:s0], s1  }
0xba: {  	s0 =	simm.s32 @!p0 $0x5  }
0xbb: {  	_ =	swait.ge @!p0 [sflag:s0], s1  }
0xbc: {  	s1 =	ssub.s32 @!p0 $0x0, s1;
	[sflag:s0] =	ssyncset.done @!p0 $0x0  }
0xbd: {  	[sflag:s0] =	ssyncadd.s32 @!p0 s1  }
0xbe: {  	[bflag:$0x3] =	sbarrier.arrive $0xFFFF  }
0xbf: {  	_ =	shalt  }

// kernel: kernel.7.cloned.1.call-start
scs
__scs_entry_jumppad:
0x0: {  	(pc) =	sbr.rel $0x88, $3  }
0x1: {  	(tag) =	ssettag $0x0;
	lr =	simm.s32 $0x1  }
0x2: {  	[smem:$0x3F9D] =	sst lr;
	_ =	strace $0xD0000000  }
0x3: {  	_ = 	snop  }
0x4: {  	_ = 	snop  }
0x5: {  	_ = 	snop  }
0x6: {  	_ = 	snop  }
0x7: {  	_ = 	snop  }
__scs_overlays_trampoline_lowered:
0x8: {  	[smem:$0x3FAC] =	sst s0  }
0x9: {  	[smem:$0x3FAD] =	sst s1  }
0xa: {  	[smem:$0x3FAE] =	sst s2  }
0xb: {  	[smem:$0x3FAF] =	sst s3  }
0xc: {  	[smem:$0x3FB0] =	sst s4  }
0xd: {  	[smem:$0x3FB1] =	sst s5  }
0xe: {  	[smem:$0x3FB2] =	sst s6  }
0xf: {  	[smem:$0x3FB3] =	sst s7  }
0x10: {  	[smem:$0x3FB4] =	sst s8  }
0x11: {  	[smem:$0x3FB5] =	sst s9;
	s0 =	simm.s32 @!p0 $0x0  }
0x12: {  	s1 =	sld [smem:$0x3F9B];
	s0 =	simm.s32 @p0 $0x1  }
0x13: {  	[smem:$0x3FB6] =	sst s0;
	s0 =	simm.s32 @!p1 $0x0  }
0x14: {  	s2 =	sld [smem:$0x3F9A];
	s0 =	simm.s32 @p1 $0x1  }
0x15: {  	[smem:$0x3FB7] =	sst s0;
	s0 =	simm.s32 @!p2 $0x0  }
0x16: {  	s3 =	sld [smem:$0x3FDB];
	s0 =	simm.s32 @p2 $0x1  }
0x17: {  	s4 =	simm.s32 $0x1BF5;
	[smem:$0x3FB9] =	sst s0  }
0x18: {  	s0 =	sld [smem:$0x3F9C];
	_ =	swait.ge [sflag:s4], $0x0  }
0x19: {  	s7 =	sld [smem:$0x3F9D]  }
0x1a: {  	s8 =	sadd.s32 $0xFFFFE003, lr  }
0x1b: {  	s9 =	sadd.s32 $0xFFFFFEF7, lr;
	s5 =	simm.s32 $0xFFFFFFFF;
	p2 =	slt.u32 s8, $0xFFFFF086  }
0x1c: {  	p1 =	slt.u32 s9, $0xF7A;
	s5 =	simm.s32 @!p2 $0x0  }
0x1d: {  	s5 =	simm.s32 @p1 $0x1;
	p0 =	seq.s32 s7, s2  }
0x1e: {  	s7 =	smul.u32 @!p0 $0xF7A, s2;
	p2 =	seq.s32 @!p0 s5, $0x0  }
0x1f: {  	s9 =	smul.u32 $0xF7A, s1;
	s8 =	simm.s32 @!p0 $0x1BF5;
	p2 =	por !p2, p0  }
0x20: {  	[sflag:s8] =	ssyncset.s32 @!p0 $0xFFFFF086;
	s6 =	sadd.s32 @!p0 s3, s7;
	s7 =	simm.s32 @!p0 $0x108  }
0x21: {  	s3 =	sadd.s32 s3, s9;
	s6 =	sadd.s32 @!p0 $0x88, s6;
	s7 =	simm.s32 @p2 $0x1082  }
0x22: {  	[simem:s7], [sflag:s8] =	dma.local @!p0 [hbm:s6], $0xF7A  }
0x23: {  	s9 =	sor.u32 $0xD0000000, s2;
	s6 =	simm.s32 $0x108;
	_ =	swait.ge @!p0 [sflag:s8], $0x0  }
0x24: {  	s3 =	sadd.s32 $0x88, s3;
	s6 =	simm.s32 @!p1 $0x1082;
	[sflag:s4] =	ssyncset.s32 $0xFFFFF086  }
0x25: {  	[simem:s6], [sflag:s4] =	dma.local [hbm:s3], $0xF7A  }
0x26: {  	[smem:$0x3F9D] =	sst s1;
	(tag) =	ssettag s2;
	_ =	strace s9  }
0x27: {  	s1 =	sld [smem:$0x3FAD]  }
0x28: {  	s2 =	sld [smem:$0x3FAE]  }
0x29: {  	s4 =	sld [smem:$0x3FB0]  }
0x2a: {  	p0 =	seq.s32 s5, $0x0;
	s5 =	sld [smem:$0x3FB1]  }
0x2b: {  	s6 =	sld [smem:$0x3FB2]  }
0x2c: {  	s7 =	sld [smem:$0x3FB3]  }
0x2d: {  	s3 =	simm.s32 $0x108;
	s8 =	sld [smem:$0x3FB4]  }
0x2e: {  	s3 =	simm.s32 @!p0 $0x1082;
	s9 =	sld [smem:$0x3FB5]  }
0x2f: {  	lr =	sadd.s32 s0, s3;
	s0 =	sld [smem:$0x3FAC]  }
0x30: {  	s3 =	sld [smem:$0x3FAF]  }
0x31: {  	[smem:$0x3FB8] =	sst s10  }
0x32: {  	s10 =	sld [smem:$0x3FB6];
	_ =	sdelay $0x3  }
0x33: {  	p0 =	seq.s32 s10, $0x1;
	s10 =	sld [smem:$0x3FB8];
	_ =	sdelay $0x3  }
0x34: {  	[smem:$0x3FB8] =	sst s10  }
0x35: {  	s10 =	sld [smem:$0x3FB7];
	_ =	sdelay $0x3  }
0x36: {  	p1 =	seq.s32 s10, $0x1;
	s10 =	sld [smem:$0x3FB8];
	_ =	sdelay $0x3  }
0x37: {  	[smem:$0x3FB8] =	sst s10  }
0x38: {  	s10 =	sld [smem:$0x3FB9]  }
0x39: {  	_ = 	snop;
	(pc) =	sbr.ind lr, $3  }
0x3a: {  	_ = 	snop  }
0x3b: {  	_ = 	snop  }
0x3c: {  	p2 =	seq.s32 s10, $0x1;
	s10 =	sld [smem:$0x3FB8]  }
0x3d: {  	_ =	shalt  }
0x3e: {  	_ =	shalt  }
0x3f: {  	_ =	shalt  }
0x40: {  	_ =	shalt  }
0x41: {  	_ =	shalt  }
0x42: {  	_ =	shalt  }
0x43: {  	_ =	shalt  }
0x44: {  	_ =	shalt  }
0x45: {  	_ =	shalt  }
0x46: {  	_ =	shalt  }
0x47: {  	_ =	shalt  }
0x48: {  	_ =	shalt  }
0x49: {  	_ =	shalt  }
0x4a: {  	_ =	shalt  }
0x4b: {  	_ =	shalt  }
0x4c: {  	_ =	shalt  }
0x4d: {  	_ =	shalt  }
0x4e: {  	_ =	shalt  }
0x4f: {  	_ =	shalt  }
0x50: {  	_ =	shalt  }
0x51: {  	_ =	shalt  }
0x52: {  	_ =	shalt  }
0x53: {  	_ =	shalt  }
0x54: {  	_ =	shalt  }
0x55: {  	_ =	shalt  }
0x56: {  	_ =	shalt  }
0x57: {  	_ =	shalt  }
0x58: {  	_ =	shalt  }
0x59: {  	_ =	shalt  }
0x5a: {  	_ =	shalt  }
0x5b: {  	_ =	shalt  }
0x5c: {  	_ =	shalt  }
0x5d: {  	_ =	shalt  }
0x5e: {  	_ =	shalt  }
0x5f: {  	_ =	shalt  }
0x60: {  	_ =	shalt  }
0x61: {  	_ =	shalt  }
0x62: {  	_ =	shalt  }
0x63: {  	_ =	shalt  }
0x64: {  	_ =	shalt  }
0x65: {  	_ =	shalt  }
0x66: {  	_ =	shalt  }
0x67: {  	_ =	shalt  }
0x68: {  	_ =	shalt  }
0x69: {  	_ =	shalt  }
0x6a: {  	_ =	shalt  }
0x6b: {  	_ =	shalt  }
0x6c: {  	_ =	shalt  }
0x6d: {  	_ =	shalt  }
0x6e: {  	_ =	shalt  }
0x6f: {  	_ =	shalt  }
0x70: {  	_ =	shalt  }
0x71: {  	_ =	shalt  }
0x72: {  	_ =	shalt  }
0x73: {  	_ =	shalt  }
0x74: {  	_ =	shalt  }
0x75: {  	_ =	shalt  }
0x76: {  	_ =	shalt  }
0x77: {  	_ =	shalt  }
0x78: {  	_ =	shalt  }
0x79: {  	_ =	shalt  }
0x7a: {  	_ =	shalt  }
0x7b: {  	_ =	shalt  }
0x7c: {  	_ =	shalt  }
0x7d: {  	_ =	shalt  }
0x7e: {  	_ =	shalt  }
0x7f: {  	_ =	shalt  }
0x80: {  	_ =	shalt  }
0x81: {  	_ =	shalt  }
0x82: {  	_ =	shalt  }
0x83: {  	_ =	shalt  }
0x84: {  	_ =	shalt  }
0x85: {  	_ =	shalt  }
0x86: {  	_ =	shalt  }
0x87: {  	_ =	shalt  }
.Lfunc_end0:
.L_simem_size_0:
called_computation_lowered:
.L_overlay_start_0:
0x88: {  	s2 =	sld [smem:$0x3FD9]  }
0x89: {  	s3 =	sld [smem:$0x3FFE];
	_ =	sdelay $0x1  }
0x8a: {  	s1 =	srdreg.scid  }
0x8b: {  	s0 =	sand.u32 $0x1, s1  }
0x8c: {  	s17 =	sshll.u32 s0, $0xA;
	s2 =	sadd.s32 s3, s2  }
0x8d: {  	s2 =	sadd.s32 s2, s17  }
0x8e: {  	[smem:$0x3FC4] =	sst s2  }
0x8f: {  	_ = 	snop  }
0x90: {  	s2 =	sld [smem:$0x3FD0];
	(tm) =	ssettm $0x1  }
0x91: {  	s18 =	sld [smem:$0x3FFB];
	_ =	sdelay $0x3  }
0x92: {  	_ =	strace s18  }
0x93: {  	s3 =	sld [smem:$0x3FFC];
	_ =	sdelay $0x3  }
0x94: {  	_ =	strace s3  }
0x95: {  	s3 =	sld [smem:$0x3FFD];
	_ =	sdelay $0x3  }
0x96: {  	_ =	strace s3  }
0x97: {  	_ =	strace $0x8FFFFFFF  }
0x98: {  	s19 =	sld [smem:$0x3FDB];
	_ =	sdelay $0x1  }
0x99: {  	s4 =	simm.s32 $_scs_section_size  }
0x9a: {  	s5 =	simm.s32 $_size__tile_overlayer_lowered;
	s6 =	simm.s32 $_tile_overlayer_lowered  }
0x9b: {  	s22 =	simm.s32 $0x1BFF;
	s21 =	sshll.u32 s6, $0x1;
	s3 =	sadd.s32 s4, s19  }
0x9c: {  	s7 =	simm.s32 $0x0;
	s20 =	sshll.u32 s5, $0x1;
	s5 =	sadd.s32 s21, s3  }
0x9d: {  	[timem:s7], [sflag:s22] =	dma.local [hbm:s5], s20  }
0x9e: {  	_ =	swait.ge [sflag:s22], s20  }
0x9f: {  	s4 =	ssub.s32 $0x0, s20;
	[sflag:s22] =	ssyncset.done $0x0  }
0xa0: {  	[sflag:s22] =	ssyncadd.s32 s4;
	_ =	sdelay $0x1  }
0xa1: {  	s23 =	simm.s32 $0x1B8B  }
0xa2: {  	_ =	swait.ge [sflag:s23], $0x1  }
0xa3: {  	[sflag:s23] =	ssyncset.done $0x0  }
0xa4: {  	s25 =	simm.s32 $0x1B8E;
	s24 =	sld [smem:$0x3FFE];
	[sflag:s23] =	ssyncadd.s32 $0xFFFFFFFF  }
0xa5: {  	s26 =	simm.s32 $execute0_lowered;
	[smem:$0x3FD2] =	sst s25  }
0xa6: {  	s5 =	sshll.u32 s26, $0x1;
	_ =	strace $0x80000046;
	[dreg:$0x1] =	wrdreg $0xFFFFFFFF  }
0xa7: {  	s28 =	simm.s32 $_size_execute0_lowered;
	s3 =	sadd.s32 s3, s5;
	[dreg:$0x0] =	wrdreg $0x0  }
0xa8: {  	s5 =	sshll.u32 s28, $0x1;
	[dreg:$0x2] =	wrdreg s3  }
0xa9: {  	[dreg:$0x3] =	wrdreg s5  }
0xaa: {  	[dreg:$0x4] =	wrdreg $0xC0  }
0xab: {  	_ =	task [dreg:s7], $0x5FFFF  }
0xac: {  	[dreg:$0x1] =	wrdreg $0xFFFFFFFF  }
0xad: {  	[dreg:$0x0] =	wrdreg $0x60  }
0xae: {  	[dreg:$0x2] =	wrdreg s24  }
0xaf: {  	[dreg:$0x3] =	wrdreg s2  }
0xb0: {  	[dreg:$0x4] =	wrdreg $0x2B000  }
0xb1: {  	[dreg:$0x5] =	wrdreg $0x9  }
0xb2: {  	_ =	task.clear_ibuf [dreg:s7], $0x6FFFF;
	_ =	strace $0x90000046  }
0xb3: {  	s29 =	simm.s32 $0x9;
	_ =	strace $0x80000048  }
0xb4: {  	_ =	swait.ge [sflag:s29], $0x1  }
0xb5: {  	[sflag:s29] =	ssyncadd.s32 $0xFFFFFFFF  }
0xb6: {  	_ =	strace $0x90000048  }
0xb7: {  	_ =	sfence  }
0xb8: {  	s30 =	sld [smem:$0x0];
	_ =	sdelay $0x2  }
0xb9: {  	s31 =	sshll.u32 s1, $0xD;
	s1 =	sshrl.u32 s1, $0x2  }
0xba: {  	s3 =	sand.u32 $0x4000, s31;
	s1 =	sadd.s32 s1, s30  }
0xbb: {  	s0 =	sor.u32 s3, s0;
	s1 =	sshll.u32 s1, $0x11  }
0xbc: {  	s0 =	sor.u32 s1, s0  }
0xbd: {  	s0 =	sadd.s32 $0x8F2B, s0  }
0xbe: {  	[sflag:s0] =	ssyncadd.remote.s32 $0x1  }
0xbf: {  	_ =	sfence.sel $0xFFFF  }
0xc0: {  	[dreg:$0x0] =	wrdreg $0xFFFFFFFF;
	(pc) =	sbr.abs _section_cstart, $3  }
0xc1: {  	[dreg:$0x1] =	wrdreg $0xFFFFFFFF  }
0xc2: {  	_ =	task.clear_ibuf [dreg:s7], $0x2FFFF;
	_ =	strace $0x9FFFFFFF  }
0xc3: {  	(tm) =	ssettm $0x7FFFFFFF  }
tec
execute0_lowered:
.L_overlay_start_1:
0x0: {  	(tag) =	ssettag $0x1  }
0x1: {  	s4 =	rddreg [dreg:$0x0]  }
0x2: {  	s0 =	srdreg.scid;
	s6 =	rddreg [dreg:$0x1]  }
0x3: {  	s2 =	rddreg [dreg:$0x2];
	s1 =	stileid.u32  }
0x4: {  	s3 =	simm.s32 $0x0;
	s11 =	simm.s32 $0x2780;
	s12 =	simm.s32 $0x2800  }
0x5: {  	s15 =	simm.s32 $0x20;
	s16 =	simm.s32 $0x10;
	s17 =	simm.s32 $0x0  }
0x6: {  	s5 =	sand.u32 $0x1, s0;
	s0 =	rddreg [dreg:$0x3];
	s8 =	smul.u32 $0x500, s1  }
0x7: {  	[smem:$0x7FF] =	sst s3;
	s10 =	smul.u32 $0xA00, s1;
	s13 =	sshll.u32 s1, $0x6  }
0x8: {  	s7 =	sshll.u32 s5, $0x4;
	_ =	strace $0x80000047;
	s9 =	ssub.s32 $0x2, s5  }
0x9: {  	s5 =	sshll.u32 s5, $0x7;
	s13 =	sor.u32 $0x1C01, s13;
	s7 =	sor.u32 s1, s7  }
0xa: {  	s29 =	sshrl.u32 s9, $0x1;
	s5 =	sor.u32 s5, s8;
	s30 =	sshrl.u32 s10, $0x2  }
0xb: {  	s8 =	simm.s32 $0x1;
	s7 =	smul.u32 $0x4E2, s7;
	s31 =	sshrl.u32 s5, $0x3  }
0xc: {  	s10 =	simm.s32 $0x80;
	s5 =	sadd.s32 s30, s2;
	s6 =	sadd.s32 s6, s31  }
0xd: {  	s14 =	sshrl.u32 s5, $0x3;
	s4 =	sadd.s32 s7, s4;
	s7 =	ssub.s32 s9, s29  }
0xe: {  	v0 =	vimm.f32 $1.000000000e+00;
	v1 =	vimm.f32 $0.0e+00;
	v2 =	vimm.s32 $0x2750;
	s9 =	simm.s32 $0x2880;
	s4 =	sadd.s32 $0xB600, s4;
	s7 =	smax.u32 s7, $0x1  }
.LBB2_1:
0xf: {  	[tilespmem:s3], [sflag:$0x1] =	stream.linear.gather [hbm4b:s4+s3], $0x2710, $0x38;
	[tilespmem:$0x2D80] =	vst v63  }
0x10: {  	_ =	swait.ge [sflag:s8], $0x2710  }
0x11: {  	[sflag:s8] =	ssyncset.done $0x0  }
0x12: {  	[sflag:s8] =	ssyncadd.s32 $0xFFFFD8F0  }
0x13: {  	[tilespmem:$0x2800] =	vst v0  }
0x14: {  	[tilespmem:$0x2810] =	vst v0  }
0x15: {  	[tilespmem:$0x2820] =	vst v0  }
0x16: {  	[tilespmem:$0x2830] =	vst v0  }
0x17: {  	[tilespmem:$0x2840] =	vst v0  }
0x18: {  	[tilespmem:$0x2850] =	vst v0  }
0x19: {  	[tilespmem:$0x2860] =	vst v0  }
0x1a: {  	[tilespmem:$0x2870] =	vst v0  }
0x1b: {  	[tilespmem:$0x2880] =	vst v1  }
0x1c: {  	[tilespmem:$0x2890] =	vst v1  }
0x1d: {  	[tilespmem:$0x28A0] =	vst v1  }
0x1e: {  	[tilespmem:$0x28B0] =	vst v1  }
0x1f: {  	[tilespmem:$0x28C0] =	vst v1  }
0x20: {  	[tilespmem:$0x28D0] =	vst v1  }
0x21: {  	[tilespmem:$0x28E0] =	vst v1  }
0x22: {  	[tilespmem:$0x28F0] =	vst v1  }
0x23: {  	[tilespmem:$0x2900] =	vst v1  }
0x24: {  	[tilespmem:$0x2910] =	vst v1  }
0x25: {  	[tilespmem:$0x2920] =	vst v1  }
0x26: {  	[tilespmem:$0x2930] =	vst v1  }
0x27: {  	[tilespmem:$0x2940] =	vst v1  }
0x28: {  	[tilespmem:$0x2950] =	vst v1  }
0x29: {  	[tilespmem:$0x2960] =	vst v1  }
0x2a: {  	[tilespmem:$0x2970] =	vst v1  }
0x2b: {  	[tilespmem:$0x2980] =	vst v1  }
0x2c: {  	[tilespmem:$0x2990] =	vst v1  }
0x2d: {  	[tilespmem:$0x29A0] =	vst v1  }
0x2e: {  	[tilespmem:$0x29B0] =	vst v1  }
0x2f: {  	[tilespmem:$0x29C0] =	vst v1  }
0x30: {  	[tilespmem:$0x29D0] =	vst v1  }
0x31: {  	[tilespmem:$0x29E0] =	vst v1  }
0x32: {  	[tilespmem:$0x29F0] =	vst v1  }
0x33: {  	[tilespmem:$0x2A00] =	vst v1  }
0x34: {  	[tilespmem:$0x2A10] =	vst v1  }
0x35: {  	[tilespmem:$0x2A20] =	vst v1  }
0x36: {  	[tilespmem:$0x2A30] =	vst v1  }
0x37: {  	[tilespmem:$0x2A40] =	vst v1  }
0x38: {  	[tilespmem:$0x2A50] =	vst v1  }
0x39: {  	[tilespmem:$0x2A60] =	vst v1  }
0x3a: {  	[tilespmem:$0x2A70] =	vst v1  }
0x3b: {  	[tilespmem:$0x2A80] =	vst v1  }
0x3c: {  	[tilespmem:$0x2A90] =	vst v1  }
0x3d: {  	[tilespmem:$0x2AA0] =	vst v1  }
0x3e: {  	[tilespmem:$0x2AB0] =	vst v1  }
0x3f: {  	[tilespmem:$0x2AC0] =	vst v1  }
0x40: {  	[tilespmem:$0x2AD0] =	vst v1  }
0x41: {  	[tilespmem:$0x2AE0] =	vst v1  }
0x42: {  	[tilespmem:$0x2AF0] =	vst v1  }
0x43: {  	[spmem:s5] =	stream.linear.scatter [tilespmem:s9], [sflag:$0x1], $0x280, $0x38;
	[tilespmem:$0x2D80] =	vst v63  }
0x44: {  	_ =	swait.ge [sflag:s8], $0x280  }
0x45: {  	[sflag:s8] =	ssyncset.done $0x0  }
0x46: {  	[sflag:s8] =	ssyncadd.s32 $0xFFFFFD80  }
0x47: {  	s18 =	simm.s32 $0x0;
	[bflag:$0x0] =	sbarrier.arrive $0xFFFF  }
0x48: {  	v3 =	vld [tilespmem:s18+$0x0];
	_ =	sdelay $0x4  }
0x49: {  	[tilespmem:$0x2780] =	vst v3  }
0x4a: {  	v3 =	vld [tilespmem:s18+$0x10];
	_ =	sdelay $0x4  }
0x4b: {  	[tilespmem:$0x2790] =	vst v3  }
0x4c: {  	v3 =	vld [tilespmem:s18+$0x20];
	_ =	sdelay $0x4  }
0x4d: {  	[tilespmem:$0x27A0] =	vst v3  }
0x4e: {  	v3 =	vld [tilespmem:s18+$0x30];
	_ =	sdelay $0x4  }
0x4f: {  	[tilespmem:$0x27B0] =	vst v3  }
0x50: {  	v3 =	vld [tilespmem:s18+$0x40];
	_ =	sdelay $0x4  }
0x51: {  	[tilespmem:$0x27C0] =	vst v3  }
0x52: {  	v3 =	vld [tilespmem:s18+$0x50];
	_ =	sdelay $0x4  }
0x53: {  	[tilespmem:$0x27D0] =	vst v3  }
0x54: {  	v3 =	vld [tilespmem:s18+$0x60];
	_ =	sdelay $0x4  }
0x55: {  	[tilespmem:$0x27E0] =	vst v3  }
0x56: {  	v3 =	vld [tilespmem:s18+$0x70];
	_ =	sdelay $0x4  }
0x57: {  	[tilespmem:$0x27F0] =	vst v3  }
0x58: {  	[spmem:s2] =	stream.indirect.scatter.add.f32 [tilespmem:s12], [sflag:$0x1], $0x1, s11, s10, $0xb8;
	[tilespmem:$0x2D80] =	vst v63  }
0x59: {  	_ =	swait.ge [sflag:s8], $0x80  }
0x5a: {  	s20 =	simm.s32 $0x400;
	s18 =	simm.s32 $0x200;
	[sflag:s8] =	ssyncset.done $0x0  }
.LBB2_2:
0x5b: {  	s21 =	sshra.s32 s18, $0x2  }
0x5c: {  	[sflag:s8] =	ssyncadd.s32 $0xFFFFFF80;
	s18 =	smov.u32 s20;
	s19 =	sadd.s32 $0x200, s20  }
0x5d: {  	p0 =	sne.s32 s20, $0x9A00;
	v3 =	vld [tilespmem:s21+$0x0];
	_ =	sdelay $0x4  }
0x5e: {  	[tilespmem:$0x2780] =	vst v3  }
0x5f: {  	v3 =	vld [tilespmem:s21+$0x10];
	_ =	sdelay $0x4  }
0x60: {  	[tilespmem:$0x2790] =	vst v3  }
0x61: {  	v3 =	vld [tilespmem:s21+$0x20];
	_ =	sdelay $0x4  }
0x62: {  	[tilespmem:$0x27A0] =	vst v3  }
0x63: {  	v3 =	vld [tilespmem:s21+$0x30];
	_ =	sdelay $0x4  }
0x64: {  	[tilespmem:$0x27B0] =	vst v3  }
0x65: {  	v3 =	vld [tilespmem:s21+$0x40];
	_ =	sdelay $0x4  }
0x66: {  	[tilespmem:$0x27C0] =	vst v3  }
0x67: {  	v3 =	vld [tilespmem:s21+$0x50];
	_ =	sdelay $0x4  }
0x68: {  	[tilespmem:$0x27D0] =	vst v3  }
0x69: {  	v3 =	vld [tilespmem:s21+$0x60];
	_ =	sdelay $0x4  }
0x6a: {  	[tilespmem:$0x27E0] =	vst v3  }
0x6b: {  	v3 =	vld [tilespmem:s21+$0x70];
	_ =	sdelay $0x3  }
.Ltmp0:
0x6c: {  	(pc) =	sbr.rel @p0 .LBB2_2-.Ltmp0, $4  }
0x6d: {  	[tilespmem:$0x27F0] =	vst v3  }
0x6e: {  	[spmem:s2] =	stream.indirect.scatter.add.f32 [tilespmem:s12], [sflag:$0x1], $0x1, s11, s10, $0xb8;
	[tilespmem:$0x2D80] =	vst v63  }
0x6f: {  	_ =	swait.ge [sflag:s8], $0x80  }
0x70: {  	s20 =	smov.u32 s19;
	[sflag:s8] =	ssyncset.done $0x0  }
0x71: {  	s18 =	sshra.s32 s18, $0x2;
	[sflag:s8] =	ssyncadd.s32 $0xFFFFFF80  }
0x72: {  	v3 =	vld [tilespmem:s18+$0x0];
	_ =	sdelay $0x4  }
0x73: {  	[tilespmem:$0x2780] =	vst v3  }
0x74: {  	v3 =	vld [tilespmem:s18+$0x10];
	_ =	sdelay $0x4  }
0x75: {  	[tilespmem:$0x2790] =	vst v3  }
0x76: {  	v3 =	vld [tilespmem:s18+$0x20];
	_ =	sdelay $0x4  }
0x77: {  	[tilespmem:$0x27A0] =	vst v3  }
0x78: {  	v3 =	vld [tilespmem:s18+$0x30];
	_ =	sdelay $0x4  }
0x79: {  	[tilespmem:$0x27B0] =	vst v3  }
0x7a: {  	v3 =	vld [tilespmem:s18+$0x40];
	_ =	sdelay $0x4  }
0x7b: {  	[tilespmem:$0x27C0] =	vst v3  }
0x7c: {  	v3 =	vld [tilespmem:s18+$0x50];
	_ =	sdelay $0x4  }
0x7d: {  	[tilespmem:$0x27D0] =	vst v3  }
0x7e: {  	v3 =	vld [tilespmem:s18+$0x60];
	_ =	sdelay $0x4  }
0x7f: {  	[tilespmem:$0x27E0] =	vst v3  }
0x80: {  	v3 =	vld [tilespmem:s18+$0x70];
	_ =	sdelay $0x4  }
0x81: {  	[tilespmem:$0x27F0] =	vst v3  }
0x82: {  	[spmem:s2] =	stream.indirect.scatter.add.f32 [tilespmem:s12], [sflag:$0x1], $0x1, s11, s10, $0xb8;
	[tilespmem:$0x2D80] =	vst v63  }
0x83: {  	_ =	swait.ge [sflag:s8], $0x80  }
0x84: {  	[sflag:s8] =	ssyncset.done $0x0  }
0x85: {  	[sflag:s8] =	ssyncadd.s32 $0xFFFFFF80  }
0x86: {  	[tilespmem:$0x2780] =	vst v2  }
0x87: {  	[tilespmem:$0x2790] =	vst v2  }
0x88: {  	[tilespmem:$0x27A0] =	vst v2  }
0x89: {  	[tilespmem:$0x27B0] =	vst v2;
	v3 =	vld [tilespmem:$0x2700]  }
0x8a: {  	[tilespmem:$0x27C0] =	vst v2  }
0x8b: {  	[tilespmem:$0x27D0] =	vst v2  }
0x8c: {  	[tilespmem:$0x27E0] =	vst v2  }
0x8d: {  	[tilespmem:$0x27F0] =	vst v2  }
0x8e: {  	[tilespmem:$0x2780] =	vst v3  }
0x8f: {  	[spmem:s2] =	stream.indirect.scatter.add.f32 [tilespmem:s12], [sflag:$0x1], $0x1, s11, s10, $0xb8;
	[tilespmem:$0x2D80] =	vst v63  }
0x90: {  	_ =	swait.ge [sflag:s8], $0x80  }
0x91: {  	s17 =	sadd.s32 $0x1, s17;
	[sflag:s8] =	ssyncset.done $0x0  }
0x92: {  	p0 =	sne.s32 s17, s7;
	[sflag:s8] =	ssyncadd.s32 $0xFFFFFF80  }
.Ltmp1:
0x93: {  	[bflag:$0x0] =	sbarrier.arrive $0xFFFF;
	(pc) =	sbr.rel @p0 .LBB2_1-.Ltmp1, $4  }
0x94: {  	[hbm:s6@s15], [sflag:s13] =	dma.strided [spmem:s14@s16], $0x50, s8, $0x10   }
0x95: {  	_ =	swait.ge [sflag:s8], $0x50  }
0x96: {  	[sflag:s8] =	ssyncset.done $0x0  }
0x97: {  	[sflag:s8] =	ssyncadd.s32 $0xFFFFFFB0  }
0x98: {  	_ =	sfence.sel $0x180000  }
0x99: {  	[bflag:$0x0] =	sbarrier.arrive $0xFFFF  }
0x9a: {  	p0 =	sne.s32 s1, $0x0;
	_ =	strace $0x90000047  }
0x9b: {  	s0 =	sadd.s32 @!p0 $0x100000, s0;
	[bflag:$0x2] =	sbarrier.arrive $0xFFFF  }
0x9c: {  	[sflag:s0] =	ssyncadd.tile.s32 @!p0 $0x1;
	_ =	shalt  }
.Lfunc_end2:
_tile_overlayer_lowered:
.L_overlay_start_2:
0x9d: {  	(tag) =	ssettag $0x2  }
0x9e: {  	s0 =	rddreg [dreg:$0x0];
	s2 =	stileid.u32  }
0x9f: {  	s1 =	rddreg [dreg:$0x1];
	p0 =	sne.s32 s2, $0x0  }
0xa0: {  	s3 =	rddreg [dreg:$0x2];
	[bflag:$0x3] =	sbarrier.arrive $0xFFFF;
	s2 =	simm.s32 @!p0 $0x1C01  }
0xa1: {  	[timem:s3], [sflag:s2] =	dma.local @!p0 [hbm:s0], s1  }
0xa2: {  	s0 =	simm.s32 @!p0 $0x1  }
0xa3: {  	_ =	swait.ge @!p0 [sflag:s0], s1  }
0xa4: {  	s1 =	ssub.s32 @!p0 $0x0, s1;
	[sflag:s0] =	ssyncset.done @!p0 $0x0  }
0xa5: {  	[sflag:s0] =	ssyncadd.s32 @!p0 s1  }
0xa6: {  	[bflag:$0x3] =	sbarrier.arrive $0xFFFF  }
0xa7: {  	_ =	shalt  }

</sc_bundles>
